<compile_context>
chip_gen: v7x
topology: tpu7x:2x2x1
jax: 0.10.2.dev20260603
libtpu: 0.0.44.dev20260713+nightly
codegen_flags: <defaults>
</compile_context>

<pallas_src>
import functools

import jax
import jax.numpy as jnp
from jax import lax
from jax.experimental import pallas as pl
from jax.experimental.pallas import tpu as pltpu
from jax.experimental.pallas import tpu_sc as plsc

_NUM_CORES = 2
_NUM_SUBCORES = 16
_NUM_WORKERS = _NUM_CORES * _NUM_SUBCORES
_LANES = 16


@functools.lru_cache(maxsize=None)
def _build(B, D, C):
    assert B % (_NUM_WORKERS * _LANES) == 0
    cols = B // _NUM_WORKERS
    n_vecs = cols // _LANES

    mesh = plsc.VectorSubcoreMesh(core_axis_name="c", subcore_axis_name="s")

    @functools.partial(
        pl.kernel,
        out_type=(
            jax.ShapeDtypeStruct((D, B), jnp.float32),
            jax.ShapeDtypeStruct((D, B), jnp.float32),
        ),
        mesh=mesh,
        compiler_params=pltpu.CompilerParams(needs_layout_passes=False),
        scratch_types=[
            pltpu.VMEM((D, cols), jnp.int32),
            pltpu.VMEM((D, C), jnp.float32),
            pltpu.VMEM((D, C), jnp.float32),
            pltpu.VMEM((D, cols), jnp.float32),
            pltpu.VMEM((D, cols), jnp.float32),
        ],
    )
    def gather_kernel(labels_hbm, mean_hbm, lv_hbm, outm_hbm, outlv_hbm,
                      labels_v, mean_v, lv_v, outm_v, outlv_v):
        wid = lax.axis_index("c") * _NUM_SUBCORES + lax.axis_index("s")
        col0 = wid * cols
        pltpu.sync_copy(labels_hbm.at[:, pl.ds(col0, cols)], labels_v)
        pltpu.sync_copy(mean_hbm, mean_v)
        pltpu.sync_copy(lv_hbm, lv_v)

        def vec_body(vi, carry):
            off = vi * _LANES
            for d in range(D):
                d_vec = jnp.full((_LANES,), d, jnp.int32)
                lbl = labels_v[d, pl.ds(off, _LANES)]
                outm_v[d, pl.ds(off, _LANES)] = plsc.load_gather(
                    mean_v, [d_vec, lbl])
                outlv_v[d, pl.ds(off, _LANES)] = plsc.load_gather(
                    lv_v, [d_vec, lbl])
            return carry

        lax.fori_loop(0, n_vecs, vec_body, 0)

        pltpu.sync_copy(outm_v, outm_hbm.at[:, pl.ds(col0, cols)])
        pltpu.sync_copy(outlv_v, outlv_hbm.at[:, pl.ds(col0, cols)])

    return gather_kernel


def kernel(labels, mean, log_var):
    B, D = labels.shape
    C = mean.shape[1]
    gather_kernel = _build(B, D, C)
    labels_t = labels.astype(jnp.int32).T
    outm_t, outlv_t = gather_kernel(labels_t, mean, log_var)
    return outm_t.T, outlv_t.T

# --- scband reference (transcript-rebuilt; emitter-appended) ---
"""Pipeline reference for scband-concept-gaussians-45973329936461 (READ-ONLY COPY).

The authoritative reference and input builder live on the scoring server;
editing this copy changes nothing except your own understanding.
"""

import jax, jax.numpy as jnp
import numpy as np

N_DOMAINS = 26
MAX_CONCEPTS = 1000
BATCH = 16384


def setup_inputs(seed: int = 0) -> dict:
    key = jax.random.key(seed)
    k1, k2, k3 = jax.random.split(key, 3)
    labels = jax.random.randint(k1, (BATCH, N_DOMAINS), 0, MAX_CONCEPTS)
    # Learned parameters, sized per build(): (n_domains, max_concepts)
    mean = jax.random.uniform(k2, (N_DOMAINS, MAX_CONCEPTS), minval=-10.0, maxval=10.0, dtype=jnp.float32)
    log_var = jax.random.uniform(k3, (N_DOMAINS, MAX_CONCEPTS), minval=-7.0, maxval=0.5, dtype=jnp.float32)
    return {"labels": labels, "mean": mean, "log_var": log_var}


def reference(labels, mean, log_var):
    # Original: for each row `label` (length D), take(mean, label, axis=1) -> (D, D),
    # then diag_part -> means[d] = mean[d, label[d]].
    # Vectorized equivalent over the batch via fancy-index gather:
    labels = labels.astype(jnp.int32)
    d_idx = jnp.arange(mean.shape[0])[None, :]          # (1, D)
    means = mean[d_idx, labels]                          # (B, D)
    log_vars = log_var[d_idx, labels]                    # (B, D)
    return means, log_vars

if __name__ == "__main__":
    import jax
    _d = setup_inputs()
    print(jax.jit(kernel)(*tuple(_d.values())))

</pallas_src>

<mosaic_0001>
#map = affine_map<(d0, d1) -> (0, 0)>
module attributes {stable_mosaic.version = 14 : i64} {
  func.func @gather_kernel(%arg0: i32, %arg1: i32, %arg2: memref<26x16384xi32, #tpu.memory_space<hbm>>, %arg3: memref<26x1000xf32, #tpu.memory_space<hbm>>, %arg4: memref<26x1000xf32, #tpu.memory_space<hbm>>, %arg5: memref<26x16384xf32, #tpu.memory_space<hbm>>, %arg6: memref<26x16384xf32, #tpu.memory_space<hbm>>, %arg7: memref<26x512xi32, #tpu.memory_space<vmem>>, %arg8: memref<26x1000xf32, #tpu.memory_space<vmem>>, %arg9: memref<26x1000xf32, #tpu.memory_space<vmem>>, %arg10: memref<26x512xf32, #tpu.memory_space<vmem>>, %arg11: memref<26x512xf32, #tpu.memory_space<vmem>>) attributes {dimension_semantics = [#tpu.dimension_semantics<core_parallel>, #tpu.dimension_semantics<subcore_parallel>], iteration_bounds = array<i64: 2, 16>, scalar_prefetch = 0 : i64, scratch_operands = 5 : i64, tpu.core_type = #tpu.core_type<sc_vector_subcore>, window_params = [{transform_indices = #map}, {transform_indices = #map}, {transform_indices = #map}, {transform_indices = #map}, {transform_indices = #map}]} {
    %mul3A = arith.constant 16 : i32
    %mul3A_0 = arith.muli %arg0, %mul3A : i32
    %add3A = arith.addi %mul3A_0, %arg1 : i32
    %mul3A_1 = arith.constant 512 : i32
    %mul3A_2 = arith.muli %add3A, %mul3A_1 : i32
    "tpu.region"() ({
      %run_scoped3A = tpu.sem_alloc : memref<!tpu.dma_semaphore, #tpu.memory_space<semaphore_mem>>
      %dma_start3A = arith.constant 0 : i32
      %dma_start3A_8 = tpu.memref_slice %arg2[%dma_start3A, %mul3A_2] : memref<26x16384xi32, #tpu.memory_space<hbm>> -> memref<26x512xi32, #tpu.memory_space<hbm>>
      %dma_start3A_9 = arith.constant 0 : i32
      %dma_start3A_10 = tpu.memref_slice %arg2[%dma_start3A_9, %mul3A_2] : memref<26x16384xi32, #tpu.memory_space<hbm>> -> memref<26x512xi32, #tpu.memory_space<hbm>>
      tpu.enqueue_dma source(%dma_start3A_10 : memref<26x512xi32, #tpu.memory_space<hbm>>) target(%arg7 : memref<26x512xi32, #tpu.memory_space<vmem>>) target_semaphore(%run_scoped3A : memref<!tpu.dma_semaphore, #tpu.memory_space<semaphore_mem>>)
      %dma_wait3A = arith.constant 0 : i32
      %dma_wait3A_11 = tpu.memref_slice %arg2[%dma_wait3A, %mul3A_2] : memref<26x16384xi32, #tpu.memory_space<hbm>> -> memref<26x512xi32, #tpu.memory_space<hbm>>
      %dma_wait3A_12 = arith.constant 0 : i32
      %dma_wait3A_13 = tpu.memref_slice %arg2[%dma_wait3A_12, %mul3A_2] : memref<26x16384xi32, #tpu.memory_space<hbm>> -> memref<26x512xi32, #tpu.memory_space<hbm>>
      tpu.wait_dma2 semaphore(%run_scoped3A : memref<!tpu.dma_semaphore, #tpu.memory_space<semaphore_mem>>) src(%dma_wait3A_13 : memref<26x512xi32, #tpu.memory_space<hbm>>) dst(%arg7 : memref<26x512xi32, #tpu.memory_space<vmem>>)
      tpu.yield
    }) : () -> ()
    "tpu.region"() ({
      %run_scoped3A = tpu.sem_alloc : memref<!tpu.dma_semaphore, #tpu.memory_space<semaphore_mem>>
      tpu.enqueue_dma source(%arg3 : memref<26x1000xf32, #tpu.memory_space<hbm>>) target(%arg8 : memref<26x1000xf32, #tpu.memory_space<vmem>>) target_semaphore(%run_scoped3A : memref<!tpu.dma_semaphore, #tpu.memory_space<semaphore_mem>>)
      tpu.wait_dma2 semaphore(%run_scoped3A : memref<!tpu.dma_semaphore, #tpu.memory_space<semaphore_mem>>) src(%arg3 : memref<26x1000xf32, #tpu.memory_space<hbm>>) dst(%arg8 : memref<26x1000xf32, #tpu.memory_space<vmem>>)
      tpu.yield
    }) : () -> ()
    "tpu.region"() ({
      %run_scoped3A = tpu.sem_alloc : memref<!tpu.dma_semaphore, #tpu.memory_space<semaphore_mem>>
      tpu.enqueue_dma source(%arg4 : memref<26x1000xf32, #tpu.memory_space<hbm>>) target(%arg9 : memref<26x1000xf32, #tpu.memory_space<vmem>>) target_semaphore(%run_scoped3A : memref<!tpu.dma_semaphore, #tpu.memory_space<semaphore_mem>>)
      tpu.wait_dma2 semaphore(%run_scoped3A : memref<!tpu.dma_semaphore, #tpu.memory_space<semaphore_mem>>) src(%arg4 : memref<26x1000xf32, #tpu.memory_space<hbm>>) dst(%arg9 : memref<26x1000xf32, #tpu.memory_space<vmem>>)
      tpu.yield
    }) : () -> ()
    %scan3A = arith.constant 0 : i32
    %scan3A_3 = arith.constant 0 : i32
    %scan3A_4 = arith.constant 32 : i32
    %scan3A_5 = arith.addi %scan3A_3, %scan3A_4 : i32
    %scan3A_6 = arith.constant 1 : i32
    scf.for %scan3A_8 = %scan3A_3 to %scan3A_5 step %scan3A_6  : i32 {
      %mul3A_9 = arith.constant 16 : i32
      %mul3A_10 = arith.muli %scan3A_8, %mul3A_9 : i32
      %broadcast_in_dim3A = arith.constant 0 : i32
      %broadcast_in_dim3A_11 = vector.broadcast %broadcast_in_dim3A : i32 to vector<16xi32>
      %get3A = arith.constant 0 : i32
      %get3A_12 = arith.index_cast %get3A : i32 to index
      %get3A_13 = arith.index_cast %mul3A_10 : i32 to index
      %get3A_14 = tpu.vector_load %arg7[%get3A_12, %get3A_13] {strides = array<i32>} : memref<26x512xi32, #tpu.memory_space<vmem>>, vector<16xi32>,
      %gather3A = tpu.vector_load_idx %arg8[%broadcast_in_dim3A_11, %get3A_14] : memref<26x1000xf32, #tpu.memory_space<vmem>>[vector<16xi32>, vector<16xi32>], vector<16xf32>,
      %swap3A = arith.constant 0 : i32
      %swap3A_15 = arith.index_cast %swap3A : i32 to index
      %swap3A_16 = arith.index_cast %mul3A_10 : i32 to index
      %swap3A_17 = tpu.vector_load %arg10[%swap3A_15, %swap3A_16] {strides = array<i32>} : memref<26x512xf32, #tpu.memory_space<vmem>>, vector<16xf32>,
      tpu.vector_store %arg10[%swap3A_15, %swap3A_16], %gather3A {strides = array<i32>} : memref<26x512xf32, #tpu.memory_space<vmem>>, vector<16xf32>,
      %gather3A_18 = tpu.vector_load_idx %arg9[%broadcast_in_dim3A_11, %get3A_14] : memref<26x1000xf32, #tpu.memory_space<vmem>>[vector<16xi32>, vector<16xi32>], vector<16xf32>,
      %swap3A_19 = arith.constant 0 : i32
      %swap3A_20 = arith.index_cast %swap3A_19 : i32 to index
      %swap3A_21 = arith.index_cast %mul3A_10 : i32 to index
      %swap3A_22 = tpu.vector_load %arg11[%swap3A_20, %swap3A_21] {strides = array<i32>} : memref<26x512xf32, #tpu.memory_space<vmem>>, vector<16xf32>,
      tpu.vector_store %arg11[%swap3A_20, %swap3A_21], %gather3A_18 {strides = array<i32>} : memref<26x512xf32, #tpu.memory_space<vmem>>, vector<16xf32>,
      %broadcast_in_dim3A_23 = arith.constant 1 : i32
      %broadcast_in_dim3A_24 = vector.broadcast %broadcast_in_dim3A_23 : i32 to vector<16xi32>
      %get3A_25 = arith.constant 1 : i32
      %get3A_26 = arith.index_cast %get3A_25 : i32 to index
      %get3A_27 = arith.index_cast %mul3A_10 : i32 to index
      %get3A_28 = tpu.vector_load %arg7[%get3A_26, %get3A_27] {strides = array<i32>} : memref<26x512xi32, #tpu.memory_space<vmem>>, vector<16xi32>,
      %gather3A_29 = tpu.vector_load_idx %arg8[%broadcast_in_dim3A_24, %get3A_28] : memref<26x1000xf32, #tpu.memory_space<vmem>>[vector<16xi32>, vector<16xi32>], vector<16xf32>,
      %swap3A_30 = arith.constant 1 : i32
      %swap3A_31 = arith.index_cast %swap3A_30 : i32 to index
      %swap3A_32 = arith.index_cast %mul3A_10 : i32 to index
      %swap3A_33 = tpu.vector_load %arg10[%swap3A_31, %swap3A_32] {strides = array<i32>} : memref<26x512xf32, #tpu.memory_space<vmem>>, vector<16xf32>,
      tpu.vector_store %arg10[%swap3A_31, %swap3A_32], %gather3A_29 {strides = array<i32>} : memref<26x512xf32, #tpu.memory_space<vmem>>, vector<16xf32>,
      %gather3A_34 = tpu.vector_load_idx %arg9[%broadcast_in_dim3A_24, %get3A_28] : memref<26x1000xf32, #tpu.memory_space<vmem>>[vector<16xi32>, vector<16xi32>], vector<16xf32>,
      %swap3A_35 = arith.constant 1 : i32
      %swap3A_36 = arith.index_cast %swap3A_35 : i32 to index
      %swap3A_37 = arith.index_cast %mul3A_10 : i32 to index
      %swap3A_38 = tpu.vector_load %arg11[%swap3A_36, %swap3A_37] {strides = array<i32>} : memref<26x512xf32, #tpu.memory_space<vmem>>, vector<16xf32>,
      tpu.vector_store %arg11[%swap3A_36, %swap3A_37], %gather3A_34 {strides = array<i32>} : memref<26x512xf32, #tpu.memory_space<vmem>>, vector<16xf32>,
      %broadcast_in_dim3A_39 = arith.constant 2 : i32
      %broadcast_in_dim3A_40 = vector.broadcast %broadcast_in_dim3A_39 : i32 to vector<16xi32>
      %get3A_41 = arith.constant 2 : i32
      %get3A_42 = arith.index_cast %get3A_41 : i32 to index
      %get3A_43 = arith.index_cast %mul3A_10 : i32 to index
      %get3A_44 = tpu.vector_load %arg7[%get3A_42, %get3A_43] {strides = array<i32>} : memref<26x512xi32, #tpu.memory_space<vmem>>, vector<16xi32>,
      %gather3A_45 = tpu.vector_load_idx %arg8[%broadcast_in_dim3A_40, %get3A_44] : memref<26x1000xf32, #tpu.memory_space<vmem>>[vector<16xi32>, vector<16xi32>], vector<16xf32>,
      %swap3A_46 = arith.constant 2 : i32
      %swap3A_47 = arith.index_cast %swap3A_46 : i32 to index
      %swap3A_48 = arith.index_cast %mul3A_10 : i32 to index
      %swap3A_49 = tpu.vector_load %arg10[%swap3A_47, %swap3A_48] {strides = array<i32>} : memref<26x512xf32, #tpu.memory_space<vmem>>, vector<16xf32>,
      tpu.vector_store %arg10[%swap3A_47, %swap3A_48], %gather3A_45 {strides = array<i32>} : memref<26x512xf32, #tpu.memory_space<vmem>>, vector<16xf32>,
      %gather3A_50 = tpu.vector_load_idx %arg9[%broadcast_in_dim3A_40, %get3A_44] : memref<26x1000xf32, #tpu.memory_space<vmem>>[vector<16xi32>, vector<16xi32>], vector<16xf32>,
      %swap3A_51 = arith.constant 2 : i32
      %swap3A_52 = arith.index_cast %swap3A_51 : i32 to index
      %swap3A_53 = arith.index_cast %mul3A_10 : i32 to index
      %swap3A_54 = tpu.vector_load %arg11[%swap3A_52, %swap3A_53] {strides = array<i32>} : memref<26x512xf32, #tpu.memory_space<vmem>>, vector<16xf32>,
      tpu.vector_store %arg11[%swap3A_52, %swap3A_53], %gather3A_50 {strides = array<i32>} : memref<26x512xf32, #tpu.memory_space<vmem>>, vector<16xf32>,
      %broadcast_in_dim3A_55 = arith.constant 3 : i32
      %broadcast_in_dim3A_56 = vector.broadcast %broadcast_in_dim3A_55 : i32 to vector<16xi32>
      %get3A_57 = arith.constant 3 : i32
      %get3A_58 = arith.index_cast %get3A_57 : i32 to index
      %get3A_59 = arith.index_cast %mul3A_10 : i32 to index
      %get3A_60 = tpu.vector_load %arg7[%get3A_58, %get3A_59] {strides = array<i32>} : memref<26x512xi32, #tpu.memory_space<vmem>>, vector<16xi32>,
      %gather3A_61 = tpu.vector_load_idx %arg8[%broadcast_in_dim3A_56, %get3A_60] : memref<26x1000xf32, #tpu.memory_space<vmem>>[vector<16xi32>, vector<16xi32>], vector<16xf32>,
      %swap3A_62 = arith.constant 3 : i32
      %swap3A_63 = arith.index_cast %swap3A_62 : i32 to index
      %swap3A_64 = arith.index_cast %mul3A_10 : i32 to index
      %swap3A_65 = tpu.vector_load %arg10[%swap3A_63, %swap3A_64] {strides = array<i32>} : memref<26x512xf32, #tpu.memory_space<vmem>>, vector<16xf32>,
      tpu.vector_store %arg10[%swap3A_63, %swap3A_64], %gather3A_61 {strides = array<i32>} : memref<26x512xf32, #tpu.memory_space<vmem>>, vector<16xf32>,
      %gather3A_66 = tpu.vector_load_idx %arg9[%broadcast_in_dim3A_56, %get3A_60] : memref<26x1000xf32, #tpu.memory_space<vmem>>[vector<16xi32>, vector<16xi32>], vector<16xf32>,
      %swap3A_67 = arith.constant 3 : i32
      %swap3A_68 = arith.index_cast %swap3A_67 : i32 to index
      %swap3A_69 = arith.index_cast %mul3A_10 : i32 to index
      %swap3A_70 = tpu.vector_load %arg11[%swap3A_68, %swap3A_69] {strides = array<i32>} : memref<26x512xf32, #tpu.memory_space<vmem>>, vector<16xf32>,
      tpu.vector_store %arg11[%swap3A_68, %swap3A_69], %gather3A_66 {strides = array<i32>} : memref<26x512xf32, #tpu.memory_space<vmem>>, vector<16xf32>,
      %broadcast_in_dim3A_71 = arith.constant 4 : i32
      %broadcast_in_dim3A_72 = vector.broadcast %broadcast_in_dim3A_71 : i32 to vector<16xi32>
      %get3A_73 = arith.constant 4 : i32
      %get3A_74 = arith.index_cast %get3A_73 : i32 to index
      %get3A_75 = arith.index_cast %mul3A_10 : i32 to index
      %get3A_76 = tpu.vector_load %arg7[%get3A_74, %get3A_75] {strides = array<i32>} : memref<26x512xi32, #tpu.memory_space<vmem>>, vector<16xi32>,
      %gather3A_77 = tpu.vector_load_idx %arg8[%broadcast_in_dim3A_72, %get3A_76] : memref<26x1000xf32, #tpu.memory_space<vmem>>[vector<16xi32>, vector<16xi32>], vector<16xf32>,
      %swap3A_78 = arith.constant 4 : i32
      %swap3A_79 = arith.index_cast %swap3A_78 : i32 to index
      %swap3A_80 = arith.index_cast %mul3A_10 : i32 to index
      %swap3A_81 = tpu.vector_load %arg10[%swap3A_79, %swap3A_80] {strides = array<i32>} : memref<26x512xf32, #tpu.memory_space<vmem>>, vector<16xf32>,
      tpu.vector_store %arg10[%swap3A_79, %swap3A_80], %gather3A_77 {strides = array<i32>} : memref<26x512xf32, #tpu.memory_space<vmem>>, vector<16xf32>,
      %gather3A_82 = tpu.vector_load_idx %arg9[%broadcast_in_dim3A_72, %get3A_76] : memref<26x1000xf32, #tpu.memory_space<vmem>>[vector<16xi32>, vector<16xi32>], vector<16xf32>,
      %swap3A_83 = arith.constant 4 : i32
      %swap3A_84 = arith.index_cast %swap3A_83 : i32 to index
      %swap3A_85 = arith.index_cast %mul3A_10 : i32 to index
      %swap3A_86 = tpu.vector_load %arg11[%swap3A_84, %swap3A_85] {strides = array<i32>} : memref<26x512xf32, #tpu.memory_space<vmem>>, vector<16xf32>,
      tpu.vector_store %arg11[%swap3A_84, %swap3A_85], %gather3A_82 {strides = array<i32>} : memref<26x512xf32, #tpu.memory_space<vmem>>, vector<16xf32>,
      %broadcast_in_dim3A_87 = arith.constant 5 : i32
      %broadcast_in_dim3A_88 = vector.broadcast %broadcast_in_dim3A_87 : i32 to vector<16xi32>
      %get3A_89 = arith.constant 5 : i32
      %get3A_90 = arith.index_cast %get3A_89 : i32 to index
      %get3A_91 = arith.index_cast %mul3A_10 : i32 to index
      %get3A_92 = tpu.vector_load %arg7[%get3A_90, %get3A_91] {strides = array<i32>} : memref<26x512xi32, #tpu.memory_space<vmem>>, vector<16xi32>,
      %gather3A_93 = tpu.vector_load_idx %arg8[%broadcast_in_dim3A_88, %get3A_92] : memref<26x1000xf32, #tpu.memory_space<vmem>>[vector<16xi32>, vector<16xi32>], vector<16xf32>,
      %swap3A_94 = arith.constant 5 : i32
      %swap3A_95 = arith.index_cast %swap3A_94 : i32 to index
      %swap3A_96 = arith.index_cast %mul3A_10 : i32 to index
      %swap3A_97 = tpu.vector_load %arg10[%swap3A_95, %swap3A_96] {strides = array<i32>} : memref<26x512xf32, #tpu.memory_space<vmem>>, vector<16xf32>,
      tpu.vector_store %arg10[%swap3A_95, %swap3A_96], %gather3A_93 {strides = array<i32>} : memref<26x512xf32, #tpu.memory_space<vmem>>, vector<16xf32>,
      %gather3A_98 = tpu.vector_load_idx %arg9[%broadcast_in_dim3A_88, %get3A_92] : memref<26x1000xf32, #tpu.memory_space<vmem>>[vector<16xi32>, vector<16xi32>], vector<16xf32>,
      %swap3A_99 = arith.constant 5 : i32
      %swap3A_100 = arith.index_cast %swap3A_99 : i32 to index
      %swap3A_101 = arith.index_cast %mul3A_10 : i32 to index
      %swap3A_102 = tpu.vector_load %arg11[%swap3A_100, %swap3A_101] {strides = array<i32>} : memref<26x512xf32, #tpu.memory_space<vmem>>, vector<16xf32>,
      tpu.vector_store %arg11[%swap3A_100, %swap3A_101], %gather3A_98 {strides = array<i32>} : memref<26x512xf32, #tpu.memory_space<vmem>>, vector<16xf32>,
      %broadcast_in_dim3A_103 = arith.constant 6 : i32
      %broadcast_in_dim3A_104 = vector.broadcast %broadcast_in_dim3A_103 : i32 to vector<16xi32>
      %get3A_105 = arith.constant 6 : i32
      %get3A_106 = arith.index_cast %get3A_105 : i32 to index
      %get3A_107 = arith.index_cast %mul3A_10 : i32 to index
      %get3A_108 = tpu.vector_load %arg7[%get3A_106, %get3A_107] {strides = array<i32>} : memref<26x512xi32, #tpu.memory_space<vmem>>, vector<16xi32>,
      %gather3A_109 = tpu.vector_load_idx %arg8[%broadcast_in_dim3A_104, %get3A_108] : memref<26x1000xf32, #tpu.memory_space<vmem>>[vector<16xi32>, vector<16xi32>], vector<16xf32>,
      %swap3A_110 = arith.constant 6 : i32
      %swap3A_111 = arith.index_cast %swap3A_110 : i32 to index
      %swap3A_112 = arith.index_cast %mul3A_10 : i32 to index
      %swap3A_113 = tpu.vector_load %arg10[%swap3A_111, %swap3A_112] {strides = array<i32>} : memref<26x512xf32, #tpu.memory_space<vmem>>, vector<16xf32>,
      tpu.vector_store %arg10[%swap3A_111, %swap3A_112], %gather3A_109 {strides = array<i32>} : memref<26x512xf32, #tpu.memory_space<vmem>>, vector<16xf32>,
      %gather3A_114 = tpu.vector_load_idx %arg9[%broadcast_in_dim3A_104, %get3A_108] : memref<26x1000xf32, #tpu.memory_space<vmem>>[vector<16xi32>, vector<16xi32>], vector<16xf32>,
      %swap3A_115 = arith.constant 6 : i32
      %swap3A_116 = arith.index_cast %swap3A_115 : i32 to index
      %swap3A_117 = arith.index_cast %mul3A_10 : i32 to index
      %swap3A_118 = tpu.vector_load %arg11[%swap3A_116, %swap3A_117] {strides = array<i32>} : memref<26x512xf32, #tpu.memory_space<vmem>>, vector<16xf32>,
      tpu.vector_store %arg11[%swap3A_116, %swap3A_117], %gather3A_114 {strides = array<i32>} : memref<26x512xf32, #tpu.memory_space<vmem>>, vector<16xf32>,
      %broadcast_in_dim3A_119 = arith.constant 7 : i32
      %broadcast_in_dim3A_120 = vector.broadcast %broadcast_in_dim3A_119 : i32 to vector<16xi32>
      %get3A_121 = arith.constant 7 : i32
      %get3A_122 = arith.index_cast %get3A_121 : i32 to index
      %get3A_123 = arith.index_cast %mul3A_10 : i32 to index
      %get3A_124 = tpu.vector_load %arg7[%get3A_122, %get3A_123] {strides = array<i32>} : memref<26x512xi32, #tpu.memory_space<vmem>>, vector<16xi32>,
      %gather3A_125 = tpu.vector_load_idx %arg8[%broadcast_in_dim3A_120, %get3A_124] : memref<26x1000xf32, #tpu.memory_space<vmem>>[vector<16xi32>, vector<16xi32>], vector<16xf32>,
      %swap3A_126 = arith.constant 7 : i32
      %swap3A_127 = arith.index_cast %swap3A_126 : i32 to index
      %swap3A_128 = arith.index_cast %mul3A_10 : i32 to index
      %swap3A_129 = tpu.vector_load %arg10[%swap3A_127, %swap3A_128] {strides = array<i32>} : memref<26x512xf32, #tpu.memory_space<vmem>>, vector<16xf32>,
      tpu.vector_store %arg10[%swap3A_127, %swap3A_128], %gather3A_125 {strides = array<i32>} : memref<26x512xf32, #tpu.memory_space<vmem>>, vector<16xf32>,
      %gather3A_130 = tpu.vector_load_idx %arg9[%broadcast_in_dim3A_120, %get3A_124] : memref<26x1000xf32, #tpu.memory_space<vmem>>[vector<16xi32>, vector<16xi32>], vector<16xf32>,
      %swap3A_131 = arith.constant 7 : i32
      %swap3A_132 = arith.index_cast %swap3A_131 : i32 to index
      %swap3A_133 = arith.index_cast %mul3A_10 : i32 to index
      %swap3A_134 = tpu.vector_load %arg11[%swap3A_132, %swap3A_133] {strides = array<i32>} : memref<26x512xf32, #tpu.memory_space<vmem>>, vector<16xf32>,
      tpu.vector_store %arg11[%swap3A_132, %swap3A_133], %gather3A_130 {strides = array<i32>} : memref<26x512xf32, #tpu.memory_space<vmem>>, vector<16xf32>,
      %broadcast_in_dim3A_135 = arith.constant 8 : i32
      %broadcast_in_dim3A_136 = vector.broadcast %broadcast_in_dim3A_135 : i32 to vector<16xi32>
      %get3A_137 = arith.constant 8 : i32
      %get3A_138 = arith.index_cast %get3A_137 : i32 to index
      %get3A_139 = arith.index_cast %mul3A_10 : i32 to index
      %get3A_140 = tpu.vector_load %arg7[%get3A_138, %get3A_139] {strides = array<i32>} : memref<26x512xi32, #tpu.memory_space<vmem>>, vector<16xi32>,
      %gather3A_141 = tpu.vector_load_idx %arg8[%broadcast_in_dim3A_136, %get3A_140] : memref<26x1000xf32, #tpu.memory_space<vmem>>[vector<16xi32>, vector<16xi32>], vector<16xf32>,
      %swap3A_142 = arith.constant 8 : i32
      %swap3A_143 = arith.index_cast %swap3A_142 : i32 to index
      %swap3A_144 = arith.index_cast %mul3A_10 : i32 to index
      %swap3A_145 = tpu.vector_load %arg10[%swap3A_143, %swap3A_144] {strides = array<i32>} : memref<26x512xf32, #tpu.memory_space<vmem>>, vector<16xf32>,
      tpu.vector_store %arg10[%swap3A_143, %swap3A_144], %gather3A_141 {strides = array<i32>} : memref<26x512xf32, #tpu.memory_space<vmem>>, vector<16xf32>,
      %gather3A_146 = tpu.vector_load_idx %arg9[%broadcast_in_dim3A_136, %get3A_140] : memref<26x1000xf32, #tpu.memory_space<vmem>>[vector<16xi32>, vector<16xi32>], vector<16xf32>,
      %swap3A_147 = arith.constant 8 : i32
      %swap3A_148 = arith.index_cast %swap3A_147 : i32 to index
      %swap3A_149 = arith.index_cast %mul3A_10 : i32 to index
      %swap3A_150 = tpu.vector_load %arg11[%swap3A_148, %swap3A_149] {strides = array<i32>} : memref<26x512xf32, #tpu.memory_space<vmem>>, vector<16xf32>,
      tpu.vector_store %arg11[%swap3A_148, %swap3A_149], %gather3A_146 {strides = array<i32>} : memref<26x512xf32, #tpu.memory_space<vmem>>, vector<16xf32>,
      %broadcast_in_dim3A_151 = arith.constant 9 : i32
      %broadcast_in_dim3A_152 = vector.broadcast %broadcast_in_dim3A_151 : i32 to vector<16xi32>
      %get3A_153 = arith.constant 9 : i32
      %get3A_154 = arith.index_cast %get3A_153 : i32 to index
      %get3A_155 = arith.index_cast %mul3A_10 : i32 to index
      %get3A_156 = tpu.vector_load %arg7[%get3A_154, %get3A_155] {strides = array<i32>} : memref<26x512xi32, #tpu.memory_space<vmem>>, vector<16xi32>,
      %gather3A_157 = tpu.vector_load_idx %arg8[%broadcast_in_dim3A_152, %get3A_156] : memref<26x1000xf32, #tpu.memory_space<vmem>>[vector<16xi32>, vector<16xi32>], vector<16xf32>,
      %swap3A_158 = arith.constant 9 : i32
      %swap3A_159 = arith.index_cast %swap3A_158 : i32 to index
      %swap3A_160 = arith.index_cast %mul3A_10 : i32 to index
      %swap3A_161 = tpu.vector_load %arg10[%swap3A_159, %swap3A_160] {strides = array<i32>} : memref<26x512xf32, #tpu.memory_space<vmem>>, vector<16xf32>,
      tpu.vector_store %arg10[%swap3A_159, %swap3A_160], %gather3A_157 {strides = array<i32>} : memref<26x512xf32, #tpu.memory_space<vmem>>, vector<16xf32>,
      %gather3A_162 = tpu.vector_load_idx %arg9[%broadcast_in_dim3A_152, %get3A_156] : memref<26x1000xf32, #tpu.memory_space<vmem>>[vector<16xi32>, vector<16xi32>], vector<16xf32>,
      %swap3A_163 = arith.constant 9 : i32
      %swap3A_164 = arith.index_cast %swap3A_163 : i32 to index
      %swap3A_165 = arith.index_cast %mul3A_10 : i32 to index
      %swap3A_166 = tpu.vector_load %arg11[%swap3A_164, %swap3A_165] {strides = array<i32>} : memref<26x512xf32, #tpu.memory_space<vmem>>, vector<16xf32>,
      tpu.vector_store %arg11[%swap3A_164, %swap3A_165], %gather3A_162 {strides = array<i32>} : memref<26x512xf32, #tpu.memory_space<vmem>>, vector<16xf32>,
      %broadcast_in_dim3A_167 = arith.constant 10 : i32
      %broadcast_in_dim3A_168 = vector.broadcast %broadcast_in_dim3A_167 : i32 to vector<16xi32>
      %get3A_169 = arith.constant 10 : i32
      %get3A_170 = arith.index_cast %get3A_169 : i32 to index
      %get3A_171 = arith.index_cast %mul3A_10 : i32 to index
      %get3A_172 = tpu.vector_load %arg7[%get3A_170, %get3A_171] {strides = array<i32>} : memref<26x512xi32, #tpu.memory_space<vmem>>, vector<16xi32>,
      %gather3A_173 = tpu.vector_load_idx %arg8[%broadcast_in_dim3A_168, %get3A_172] : memref<26x1000xf32, #tpu.memory_space<vmem>>[vector<16xi32>, vector<16xi32>], vector<16xf32>,
      %swap3A_174 = arith.constant 10 : i32
      %swap3A_175 = arith.index_cast %swap3A_174 : i32 to index
      %swap3A_176 = arith.index_cast %mul3A_10 : i32 to index
      %swap3A_177 = tpu.vector_load %arg10[%swap3A_175, %swap3A_176] {strides = array<i32>} : memref<26x512xf32, #tpu.memory_space<vmem>>, vector<16xf32>,
      tpu.vector_store %arg10[%swap3A_175, %swap3A_176], %gather3A_173 {strides = array<i32>} : memref<26x512xf32, #tpu.memory_space<vmem>>, vector<16xf32>,
      %gather3A_178 = tpu.vector_load_idx %arg9[%broadcast_in_dim3A_168, %get3A_172] : memref<26x1000xf32, #tpu.memory_space<vmem>>[vector<16xi32>, vector<16xi32>], vector<16xf32>,
      %swap3A_179 = arith.constant 10 : i32
      %swap3A_180 = arith.index_cast %swap3A_179 : i32 to index
      %swap3A_181 = arith.index_cast %mul3A_10 : i32 to index
      %swap3A_182 = tpu.vector_load %arg11[%swap3A_180, %swap3A_181] {strides = array<i32>} : memref<26x512xf32, #tpu.memory_space<vmem>>, vector<16xf32>,
      tpu.vector_store %arg11[%swap3A_180, %swap3A_181], %gather3A_178 {strides = array<i32>} : memref<26x512xf32, #tpu.memory_space<vmem>>, vector<16xf32>,
      %broadcast_in_dim3A_183 = arith.constant 11 : i32
      %broadcast_in_dim3A_184 = vector.broadcast %broadcast_in_dim3A_183 : i32 to vector<16xi32>
      %get3A_185 = arith.constant 11 : i32
      %get3A_186 = arith.index_cast %get3A_185 : i32 to index
      %get3A_187 = arith.index_cast %mul3A_10 : i32 to index
      %get3A_188 = tpu.vector_load %arg7[%get3A_186, %get3A_187] {strides = array<i32>} : memref<26x512xi32, #tpu.memory_space<vmem>>, vector<16xi32>,
      %gather3A_189 = tpu.vector_load_idx %arg8[%broadcast_in_dim3A_184, %get3A_188] : memref<26x1000xf32, #tpu.memory_space<vmem>>[vector<16xi32>, vector<16xi32>], vector<16xf32>,
      %swap3A_190 = arith.constant 11 : i32
      %swap3A_191 = arith.index_cast %swap3A_190 : i32 to index
      %swap3A_192 = arith.index_cast %mul3A_10 : i32 to index
      %swap3A_193 = tpu.vector_load %arg10[%swap3A_191, %swap3A_192] {strides = array<i32>} : memref<26x512xf32, #tpu.memory_space<vmem>>, vector<16xf32>,
      tpu.vector_store %arg10[%swap3A_191, %swap3A_192], %gather3A_189 {strides = array<i32>} : memref<26x512xf32, #tpu.memory_space<vmem>>, vector<16xf32>,
      %gather3A_194 = tpu.vector_load_idx %arg9[%broadcast_in_dim3A_184, %get3A_188] : memref<26x1000xf32, #tpu.memory_space<vmem>>[vector<16xi32>, vector<16xi32>], vector<16xf32>,
      %swap3A_195 = arith.constant 11 : i32
      %swap3A_196 = arith.index_cast %swap3A_195 : i32 to index
      %swap3A_197 = arith.index_cast %mul3A_10 : i32 to index
      %swap3A_198 = tpu.vector_load %arg11[%swap3A_196, %swap3A_197] {strides = array<i32>} : memref<26x512xf32, #tpu.memory_space<vmem>>, vector<16xf32>,
      tpu.vector_store %arg11[%swap3A_196, %swap3A_197], %gather3A_194 {strides = array<i32>} : memref<26x512xf32, #tpu.memory_space<vmem>>, vector<16xf32>,
      %broadcast_in_dim3A_199 = arith.constant 12 : i32
      %broadcast_in_dim3A_200 = vector.broadcast %broadcast_in_dim3A_199 : i32 to vector<16xi32>
      %get3A_201 = arith.constant 12 : i32
      %get3A_202 = arith.index_cast %get3A_201 : i32 to index
      %get3A_203 = arith.index_cast %mul3A_10 : i32 to index
      %get3A_204 = tpu.vector_load %arg7[%get3A_202, %get3A_203] {strides = array<i32>} : memref<26x512xi32, #tpu.memory_space<vmem>>, vector<16xi32>,
      %gather3A_205 = tpu.vector_load_idx %arg8[%broadcast_in_dim3A_200, %get3A_204] : memref<26x1000xf32, #tpu.memory_space<vmem>>[vector<16xi32>, vector<16xi32>], vector<16xf32>,
      %swap3A_206 = arith.constant 12 : i32
      %swap3A_207 = arith.index_cast %swap3A_206 : i32 to index
      %swap3A_208 = arith.index_cast %mul3A_10 : i32 to index
      %swap3A_209 = tpu.vector_load %arg10[%swap3A_207, %swap3A_208] {strides = array<i32>} : memref<26x512xf32, #tpu.memory_space<vmem>>, vector<16xf32>,
      tpu.vector_store %arg10[%swap3A_207, %swap3A_208], %gather3A_205 {strides = array<i32>} : memref<26x512xf32, #tpu.memory_space<vmem>>, vector<16xf32>,
      %gather3A_210 = tpu.vector_load_idx %arg9[%broadcast_in_dim3A_200, %get3A_204] : memref<26x1000xf32, #tpu.memory_space<vmem>>[vector<16xi32>, vector<16xi32>], vector<16xf32>,
      %swap3A_211 = arith.constant 12 : i32
      %swap3A_212 = arith.index_cast %swap3A_211 : i32 to index
      %swap3A_213 = arith.index_cast %mul3A_10 : i32 to index
      %swap3A_214 = tpu.vector_load %arg11[%swap3A_212, %swap3A_213] {strides = array<i32>} : memref<26x512xf32, #tpu.memory_space<vmem>>, vector<16xf32>,
      tpu.vector_store %arg11[%swap3A_212, %swap3A_213], %gather3A_210 {strides = array<i32>} : memref<26x512xf32, #tpu.memory_space<vmem>>, vector<16xf32>,
      %broadcast_in_dim3A_215 = arith.constant 13 : i32
      %broadcast_in_dim3A_216 = vector.broadcast %broadcast_in_dim3A_215 : i32 to vector<16xi32>
      %get3A_217 = arith.constant 13 : i32
      %get3A_218 = arith.index_cast %get3A_217 : i32 to index
      %get3A_219 = arith.index_cast %mul3A_10 : i32 to index
      %get3A_220 = tpu.vector_load %arg7[%get3A_218, %get3A_219] {strides = array<i32>} : memref<26x512xi32, #tpu.memory_space<vmem>>, vector<16xi32>,
      %gather3A_221 = tpu.vector_load_idx %arg8[%broadcast_in_dim3A_216, %get3A_220] : memref<26x1000xf32, #tpu.memory_space<vmem>>[vector<16xi32>, vector<16xi32>], vector<16xf32>,
      %swap3A_222 = arith.constant 13 : i32
      %swap3A_223 = arith.index_cast %swap3A_222 : i32 to index
      %swap3A_224 = arith.index_cast %mul3A_10 : i32 to index
      %swap3A_225 = tpu.vector_load %arg10[%swap3A_223, %swap3A_224] {strides = array<i32>} : memref<26x512xf32, #tpu.memory_space<vmem>>, vector<16xf32>,
      tpu.vector_store %arg10[%swap3A_223, %swap3A_224], %gather3A_221 {strides = array<i32>} : memref<26x512xf32, #tpu.memory_space<vmem>>, vector<16xf32>,
      %gather3A_226 = tpu.vector_load_idx %arg9[%broadcast_in_dim3A_216, %get3A_220] : memref<26x1000xf32, #tpu.memory_space<vmem>>[vector<16xi32>, vector<16xi32>], vector<16xf32>,
      %swap3A_227 = arith.constant 13 : i32
      %swap3A_228 = arith.index_cast %swap3A_227 : i32 to index
      %swap3A_229 = arith.index_cast %mul3A_10 : i32 to index
      %swap3A_230 = tpu.vector_load %arg11[%swap3A_228, %swap3A_229] {strides = array<i32>} : memref<26x512xf32, #tpu.memory_space<vmem>>, vector<16xf32>,
      tpu.vector_store %arg11[%swap3A_228, %swap3A_229], %gather3A_226 {strides = array<i32>} : memref<26x512xf32, #tpu.memory_space<vmem>>, vector<16xf32>,
      %broadcast_in_dim3A_231 = arith.constant 14 : i32
      %broadcast_in_dim3A_232 = vector.broadcast %broadcast_in_dim3A_231 : i32 to vector<16xi32>
      %get3A_233 = arith.constant 14 : i32
      %get3A_234 = arith.index_cast %get3A_233 : i32 to index
      %get3A_235 = arith.index_cast %mul3A_10 : i32 to index
      %get3A_236 = tpu.vector_load %arg7[%get3A_234, %get3A_235] {strides = array<i32>} : memref<26x512xi32, #tpu.memory_space<vmem>>, vector<16xi32>,
      %gather3A_237 = tpu.vector_load_idx %arg8[%broadcast_in_dim3A_232, %get3A_236] : memref<26x1000xf32, #tpu.memory_space<vmem>>[vector<16xi32>, vector<16xi32>], vector<16xf32>,
      %swap3A_238 = arith.constant 14 : i32
      %swap3A_239 = arith.index_cast %swap3A_238 : i32 to index
      %swap3A_240 = arith.index_cast %mul3A_10 : i32 to index
      %swap3A_241 = tpu.vector_load %arg10[%swap3A_239, %swap3A_240] {strides = array<i32>} : memref<26x512xf32, #tpu.memory_space<vmem>>, vector<16xf32>,
      tpu.vector_store %arg10[%swap3A_239, %swap3A_240], %gather3A_237 {strides = array<i32>} : memref<26x512xf32, #tpu.memory_space<vmem>>, vector<16xf32>,
      %gather3A_242 = tpu.vector_load_idx %arg9[%broadcast_in_dim3A_232, %get3A_236] : memref<26x1000xf32, #tpu.memory_space<vmem>>[vector<16xi32>, vector<16xi32>], vector<16xf32>,
      %swap3A_243 = arith.constant 14 : i32
      %swap3A_244 = arith.index_cast %swap3A_243 : i32 to index
      %swap3A_245 = arith.index_cast %mul3A_10 : i32 to index
      %swap3A_246 = tpu.vector_load %arg11[%swap3A_244, %swap3A_245] {strides = array<i32>} : memref<26x512xf32, #tpu.memory_space<vmem>>, vector<16xf32>,
      tpu.vector_store %arg11[%swap3A_244, %swap3A_245], %gather3A_242 {strides = array<i32>} : memref<26x512xf32, #tpu.memory_space<vmem>>, vector<16xf32>,
      %broadcast_in_dim3A_247 = arith.constant 15 : i32
      %broadcast_in_dim3A_248 = vector.broadcast %broadcast_in_dim3A_247 : i32 to vector<16xi32>
      %get3A_249 = arith.constant 15 : i32
      %get3A_250 = arith.index_cast %get3A_249 : i32 to index
      %get3A_251 = arith.index_cast %mul3A_10 : i32 to index
      %get3A_252 = tpu.vector_load %arg7[%get3A_250, %get3A_251] {strides = array<i32>} : memref<26x512xi32, #tpu.memory_space<vmem>>, vector<16xi32>,
      %gather3A_253 = tpu.vector_load_idx %arg8[%broadcast_in_dim3A_248, %get3A_252] : memref<26x1000xf32, #tpu.memory_space<vmem>>[vector<16xi32>, vector<16xi32>], vector<16xf32>,
      %swap3A_254 = arith.constant 15 : i32
      %swap3A_255 = arith.index_cast %swap3A_254 : i32 to index
      %swap3A_256 = arith.index_cast %mul3A_10 : i32 to index
      %swap3A_257 = tpu.vector_load %arg10[%swap3A_255, %swap3A_256] {strides = array<i32>} : memref<26x512xf32, #tpu.memory_space<vmem>>, vector<16xf32>,
      tpu.vector_store %arg10[%swap3A_255, %swap3A_256], %gather3A_253 {strides = array<i32>} : memref<26x512xf32, #tpu.memory_space<vmem>>, vector<16xf32>,
      %gather3A_258 = tpu.vector_load_idx %arg9[%broadcast_in_dim3A_248, %get3A_252] : memref<26x1000xf32, #tpu.memory_space<vmem>>[vector<16xi32>, vector<16xi32>], vector<16xf32>,
      %swap3A_259 = arith.constant 15 : i32
      %swap3A_260 = arith.index_cast %swap3A_259 : i32 to index
      %swap3A_261 = arith.index_cast %mul3A_10 : i32 to index
      %swap3A_262 = tpu.vector_load %arg11[%swap3A_260, %swap3A_261] {strides = array<i32>} : memref<26x512xf32, #tpu.memory_space<vmem>>, vector<16xf32>,
      tpu.vector_store %arg11[%swap3A_260, %swap3A_261], %gather3A_258 {strides = array<i32>} : memref<26x512xf32, #tpu.memory_space<vmem>>, vector<16xf32>,
      %broadcast_in_dim3A_263 = arith.constant 16 : i32
      %broadcast_in_dim3A_264 = vector.broadcast %broadcast_in_dim3A_263 : i32 to vector<16xi32>
      %get3A_265 = arith.constant 16 : i32
      %get3A_266 = arith.index_cast %get3A_265 : i32 to index
      %get3A_267 = arith.index_cast %mul3A_10 : i32 to index
      %get3A_268 = tpu.vector_load %arg7[%get3A_266, %get3A_267] {strides = array<i32>} : memref<26x512xi32, #tpu.memory_space<vmem>>, vector<16xi32>,
      %gather3A_269 = tpu.vector_load_idx %arg8[%broadcast_in_dim3A_264, %get3A_268] : memref<26x1000xf32, #tpu.memory_space<vmem>>[vector<16xi32>, vector<16xi32>], vector<16xf32>,
      %swap3A_270 = arith.constant 16 : i32
      %swap3A_271 = arith.index_cast %swap3A_270 : i32 to index
      %swap3A_272 = arith.index_cast %mul3A_10 : i32 to index
      %swap3A_273 = tpu.vector_load %arg10[%swap3A_271, %swap3A_272] {strides = array<i32>} : memref<26x512xf32, #tpu.memory_space<vmem>>, vector<16xf32>,
      tpu.vector_store %arg10[%swap3A_271, %swap3A_272], %gather3A_269 {strides = array<i32>} : memref<26x512xf32, #tpu.memory_space<vmem>>, vector<16xf32>,
      %gather3A_274 = tpu.vector_load_idx %arg9[%broadcast_in_dim3A_264, %get3A_268] : memref<26x1000xf32, #tpu.memory_space<vmem>>[vector<16xi32>, vector<16xi32>], vector<16xf32>,
      %swap3A_275 = arith.constant 16 : i32
      %swap3A_276 = arith.index_cast %swap3A_275 : i32 to index
      %swap3A_277 = arith.index_cast %mul3A_10 : i32 to index
      %swap3A_278 = tpu.vector_load %arg11[%swap3A_276, %swap3A_277] {strides = array<i32>} : memref<26x512xf32, #tpu.memory_space<vmem>>, vector<16xf32>,
      tpu.vector_store %arg11[%swap3A_276, %swap3A_277], %gather3A_274 {strides = array<i32>} : memref<26x512xf32, #tpu.memory_space<vmem>>, vector<16xf32>,
      %broadcast_in_dim3A_279 = arith.constant 17 : i32
      %broadcast_in_dim3A_280 = vector.broadcast %broadcast_in_dim3A_279 : i32 to vector<16xi32>
      %get3A_281 = arith.constant 17 : i32
      %get3A_282 = arith.index_cast %get3A_281 : i32 to index
      %get3A_283 = arith.index_cast %mul3A_10 : i32 to index
      %get3A_284 = tpu.vector_load %arg7[%get3A_282, %get3A_283] {strides = array<i32>} : memref<26x512xi32, #tpu.memory_space<vmem>>, vector<16xi32>,
      %gather3A_285 = tpu.vector_load_idx %arg8[%broadcast_in_dim3A_280, %get3A_284] : memref<26x1000xf32, #tpu.memory_space<vmem>>[vector<16xi32>, vector<16xi32>], vector<16xf32>,
      %swap3A_286 = arith.constant 17 : i32
      %swap3A_287 = arith.index_cast %swap3A_286 : i32 to index
      %swap3A_288 = arith.index_cast %mul3A_10 : i32 to index
      %swap3A_289 = tpu.vector_load %arg10[%swap3A_287, %swap3A_288] {strides = array<i32>} : memref<26x512xf32, #tpu.memory_space<vmem>>, vector<16xf32>,
      tpu.vector_store %arg10[%swap3A_287, %swap3A_288], %gather3A_285 {strides = array<i32>} : memref<26x512xf32, #tpu.memory_space<vmem>>, vector<16xf32>,
      %gather3A_290 = tpu.vector_load_idx %arg9[%broadcast_in_dim3A_280, %get3A_284] : memref<26x1000xf32, #tpu.memory_space<vmem>>[vector<16xi32>, vector<16xi32>], vector<16xf32>,
      %swap3A_291 = arith.constant 17 : i32
      %swap3A_292 = arith.index_cast %swap3A_291 : i32 to index
      %swap3A_293 = arith.index_cast %mul3A_10 : i32 to index
      %swap3A_294 = tpu.vector_load %arg11[%swap3A_292, %swap3A_293] {strides = array<i32>} : memref<26x512xf32, #tpu.memory_space<vmem>>, vector<16xf32>,
      tpu.vector_store %arg11[%swap3A_292, %swap3A_293], %gather3A_290 {strides = array<i32>} : memref<26x512xf32, #tpu.memory_space<vmem>>, vector<16xf32>,
      %broadcast_in_dim3A_295 = arith.constant 18 : i32
      %broadcast_in_dim3A_296 = vector.broadcast %broadcast_in_dim3A_295 : i32 to vector<16xi32>
      %get3A_297 = arith.constant 18 : i32
      %get3A_298 = arith.index_cast %get3A_297 : i32 to index
      %get3A_299 = arith.index_cast %mul3A_10 : i32 to index
      %get3A_300 = tpu.vector_load %arg7[%get3A_298, %get3A_299] {strides = array<i32>} : memref<26x512xi32, #tpu.memory_space<vmem>>, vector<16xi32>,
      %gather3A_301 = tpu.vector_load_idx %arg8[%broadcast_in_dim3A_296, %get3A_300] : memref<26x1000xf32, #tpu.memory_space<vmem>>[vector<16xi32>, vector<16xi32>], vector<16xf32>,
      %swap3A_302 = arith.constant 18 : i32
      %swap3A_303 = arith.index_cast %swap3A_302 : i32 to index
      %swap3A_304 = arith.index_cast %mul3A_10 : i32 to index
      %swap3A_305 = tpu.vector_load %arg10[%swap3A_303, %swap3A_304] {strides = array<i32>} : memref<26x512xf32, #tpu.memory_space<vmem>>, vector<16xf32>,
      tpu.vector_store %arg10[%swap3A_303, %swap3A_304], %gather3A_301 {strides = array<i32>} : memref<26x512xf32, #tpu.memory_space<vmem>>, vector<16xf32>,
      %gather3A_306 = tpu.vector_load_idx %arg9[%broadcast_in_dim3A_296, %get3A_300] : memref<26x1000xf32, #tpu.memory_space<vmem>>[vector<16xi32>, vector<16xi32>], vector<16xf32>,
      %swap3A_307 = arith.constant 18 : i32
      %swap3A_308 = arith.index_cast %swap3A_307 : i32 to index
      %swap3A_309 = arith.index_cast %mul3A_10 : i32 to index
      %swap3A_310 = tpu.vector_load %arg11[%swap3A_308, %swap3A_309] {strides = array<i32>} : memref<26x512xf32, #tpu.memory_space<vmem>>, vector<16xf32>,
      tpu.vector_store %arg11[%swap3A_308, %swap3A_309], %gather3A_306 {strides = array<i32>} : memref<26x512xf32, #tpu.memory_space<vmem>>, vector<16xf32>,
      %broadcast_in_dim3A_311 = arith.constant 19 : i32
      %broadcast_in_dim3A_312 = vector.broadcast %broadcast_in_dim3A_311 : i32 to vector<16xi32>
      %get3A_313 = arith.constant 19 : i32
      %get3A_314 = arith.index_cast %get3A_313 : i32 to index
      %get3A_315 = arith.index_cast %mul3A_10 : i32 to index
      %get3A_316 = tpu.vector_load %arg7[%get3A_314, %get3A_315] {strides = array<i32>} : memref<26x512xi32, #tpu.memory_space<vmem>>, vector<16xi32>,
      %gather3A_317 = tpu.vector_load_idx %arg8[%broadcast_in_dim3A_312, %get3A_316] : memref<26x1000xf32, #tpu.memory_space<vmem>>[vector<16xi32>, vector<16xi32>], vector<16xf32>,
      %swap3A_318 = arith.constant 19 : i32
      %swap3A_319 = arith.index_cast %swap3A_318 : i32 to index
      %swap3A_320 = arith.index_cast %mul3A_10 : i32 to index
      %swap3A_321 = tpu.vector_load %arg10[%swap3A_319, %swap3A_320] {strides = array<i32>} : memref<26x512xf32, #tpu.memory_space<vmem>>, vector<16xf32>,
      tpu.vector_store %arg10[%swap3A_319, %swap3A_320], %gather3A_317 {strides = array<i32>} : memref<26x512xf32, #tpu.memory_space<vmem>>, vector<16xf32>,
      %gather3A_322 = tpu.vector_load_idx %arg9[%broadcast_in_dim3A_312, %get3A_316] : memref<26x1000xf32, #tpu.memory_space<vmem>>[vector<16xi32>, vector<16xi32>], vector<16xf32>,
      %swap3A_323 = arith.constant 19 : i32
      %swap3A_324 = arith.index_cast %swap3A_323 : i32 to index
      %swap3A_325 = arith.index_cast %mul3A_10 : i32 to index
      %swap3A_326 = tpu.vector_load %arg11[%swap3A_324, %swap3A_325] {strides = array<i32>} : memref<26x512xf32, #tpu.memory_space<vmem>>, vector<16xf32>,
      tpu.vector_store %arg11[%swap3A_324, %swap3A_325], %gather3A_322 {strides = array<i32>} : memref<26x512xf32, #tpu.memory_space<vmem>>, vector<16xf32>,
      %broadcast_in_dim3A_327 = arith.constant 20 : i32
      %broadcast_in_dim3A_328 = vector.broadcast %broadcast_in_dim3A_327 : i32 to vector<16xi32>
      %get3A_329 = arith.constant 20 : i32
      %get3A_330 = arith.index_cast %get3A_329 : i32 to index
      %get3A_331 = arith.index_cast %mul3A_10 : i32 to index
      %get3A_332 = tpu.vector_load %arg7[%get3A_330, %get3A_331] {strides = array<i32>} : memref<26x512xi32, #tpu.memory_space<vmem>>, vector<16xi32>,
      %gather3A_333 = tpu.vector_load_idx %arg8[%broadcast_in_dim3A_328, %get3A_332] : memref<26x1000xf32, #tpu.memory_space<vmem>>[vector<16xi32>, vector<16xi32>], vector<16xf32>,
      %swap3A_334 = arith.constant 20 : i32
      %swap3A_335 = arith.index_cast %swap3A_334 : i32 to index
      %swap3A_336 = arith.index_cast %mul3A_10 : i32 to index
      %swap3A_337 = tpu.vector_load %arg10[%swap3A_335, %swap3A_336] {strides = array<i32>} : memref<26x512xf32, #tpu.memory_space<vmem>>, vector<16xf32>,
      tpu.vector_store %arg10[%swap3A_335, %swap3A_336], %gather3A_333 {strides = array<i32>} : memref<26x512xf32, #tpu.memory_space<vmem>>, vector<16xf32>,
      %gather3A_338 = tpu.vector_load_idx %arg9[%broadcast_in_dim3A_328, %get3A_332] : memref<26x1000xf32, #tpu.memory_space<vmem>>[vector<16xi32>, vector<16xi32>], vector<16xf32>,
      %swap3A_339 = arith.constant 20 : i32
      %swap3A_340 = arith.index_cast %swap3A_339 : i32 to index
      %swap3A_341 = arith.index_cast %mul3A_10 : i32 to index
      %swap3A_342 = tpu.vector_load %arg11[%swap3A_340, %swap3A_341] {strides = array<i32>} : memref<26x512xf32, #tpu.memory_space<vmem>>, vector<16xf32>,
      tpu.vector_store %arg11[%swap3A_340, %swap3A_341], %gather3A_338 {strides = array<i32>} : memref<26x512xf32, #tpu.memory_space<vmem>>, vector<16xf32>,
      %broadcast_in_dim3A_343 = arith.constant 21 : i32
      %broadcast_in_dim3A_344 = vector.broadcast %broadcast_in_dim3A_343 : i32 to vector<16xi32>
      %get3A_345 = arith.constant 21 : i32
      %get3A_346 = arith.index_cast %get3A_345 : i32 to index
      %get3A_347 = arith.index_cast %mul3A_10 : i32 to index
      %get3A_348 = tpu.vector_load %arg7[%get3A_346, %get3A_347] {strides = array<i32>} : memref<26x512xi32, #tpu.memory_space<vmem>>, vector<16xi32>,
      %gather3A_349 = tpu.vector_load_idx %arg8[%broadcast_in_dim3A_344, %get3A_348] : memref<26x1000xf32, #tpu.memory_space<vmem>>[vector<16xi32>, vector<16xi32>], vector<16xf32>,
      %swap3A_350 = arith.constant 21 : i32
      %swap3A_351 = arith.index_cast %swap3A_350 : i32 to index
      %swap3A_352 = arith.index_cast %mul3A_10 : i32 to index
      %swap3A_353 = tpu.vector_load %arg10[%swap3A_351, %swap3A_352] {strides = array<i32>} : memref<26x512xf32, #tpu.memory_space<vmem>>, vector<16xf32>,
      tpu.vector_store %arg10[%swap3A_351, %swap3A_352], %gather3A_349 {strides = array<i32>} : memref<26x512xf32, #tpu.memory_space<vmem>>, vector<16xf32>,
      %gather3A_354 = tpu.vector_load_idx %arg9[%broadcast_in_dim3A_344, %get3A_348] : memref<26x1000xf32, #tpu.memory_space<vmem>>[vector<16xi32>, vector<16xi32>], vector<16xf32>,
      %swap3A_355 = arith.constant 21 : i32
      %swap3A_356 = arith.index_cast %swap3A_355 : i32 to index
      %swap3A_357 = arith.index_cast %mul3A_10 : i32 to index
      %swap3A_358 = tpu.vector_load %arg11[%swap3A_356, %swap3A_357] {strides = array<i32>} : memref<26x512xf32, #tpu.memory_space<vmem>>, vector<16xf32>,
      tpu.vector_store %arg11[%swap3A_356, %swap3A_357], %gather3A_354 {strides = array<i32>} : memref<26x512xf32, #tpu.memory_space<vmem>>, vector<16xf32>,
      %broadcast_in_dim3A_359 = arith.constant 22 : i32
      %broadcast_in_dim3A_360 = vector.broadcast %broadcast_in_dim3A_359 : i32 to vector<16xi32>
      %get3A_361 = arith.constant 22 : i32
      %get3A_362 = arith.index_cast %get3A_361 : i32 to index
      %get3A_363 = arith.index_cast %mul3A_10 : i32 to index
      %get3A_364 = tpu.vector_load %arg7[%get3A_362, %get3A_363] {strides = array<i32>} : memref<26x512xi32, #tpu.memory_space<vmem>>, vector<16xi32>,
      %gather3A_365 = tpu.vector_load_idx %arg8[%broadcast_in_dim3A_360, %get3A_364] : memref<26x1000xf32, #tpu.memory_space<vmem>>[vector<16xi32>, vector<16xi32>], vector<16xf32>,
      %swap3A_366 = arith.constant 22 : i32
      %swap3A_367 = arith.index_cast %swap3A_366 : i32 to index
      %swap3A_368 = arith.index_cast %mul3A_10 : i32 to index
      %swap3A_369 = tpu.vector_load %arg10[%swap3A_367, %swap3A_368] {strides = array<i32>} : memref<26x512xf32, #tpu.memory_space<vmem>>, vector<16xf32>,
      tpu.vector_store %arg10[%swap3A_367, %swap3A_368], %gather3A_365 {strides = array<i32>} : memref<26x512xf32, #tpu.memory_space<vmem>>, vector<16xf32>,
      %gather3A_370 = tpu.vector_load_idx %arg9[%broadcast_in_dim3A_360, %get3A_364] : memref<26x1000xf32, #tpu.memory_space<vmem>>[vector<16xi32>, vector<16xi32>], vector<16xf32>,
      %swap3A_371 = arith.constant 22 : i32
      %swap3A_372 = arith.index_cast %swap3A_371 : i32 to index
      %swap3A_373 = arith.index_cast %mul3A_10 : i32 to index
      %swap3A_374 = tpu.vector_load %arg11[%swap3A_372, %swap3A_373] {strides = array<i32>} : memref<26x512xf32, #tpu.memory_space<vmem>>, vector<16xf32>,
      tpu.vector_store %arg11[%swap3A_372, %swap3A_373], %gather3A_370 {strides = array<i32>} : memref<26x512xf32, #tpu.memory_space<vmem>>, vector<16xf32>,
      %broadcast_in_dim3A_375 = arith.constant 23 : i32
      %broadcast_in_dim3A_376 = vector.broadcast %broadcast_in_dim3A_375 : i32 to vector<16xi32>
      %get3A_377 = arith.constant 23 : i32
      %get3A_378 = arith.index_cast %get3A_377 : i32 to index
      %get3A_379 = arith.index_cast %mul3A_10 : i32 to index
      %get3A_380 = tpu.vector_load %arg7[%get3A_378, %get3A_379] {strides = array<i32>} : memref<26x512xi32, #tpu.memory_space<vmem>>, vector<16xi32>,
      %gather3A_381 = tpu.vector_load_idx %arg8[%broadcast_in_dim3A_376, %get3A_380] : memref<26x1000xf32, #tpu.memory_space<vmem>>[vector<16xi32>, vector<16xi32>], vector<16xf32>,
      %swap3A_382 = arith.constant 23 : i32
      %swap3A_383 = arith.index_cast %swap3A_382 : i32 to index
      %swap3A_384 = arith.index_cast %mul3A_10 : i32 to index
      %swap3A_385 = tpu.vector_load %arg10[%swap3A_383, %swap3A_384] {strides = array<i32>} : memref<26x512xf32, #tpu.memory_space<vmem>>, vector<16xf32>,
      tpu.vector_store %arg10[%swap3A_383, %swap3A_384], %gather3A_381 {strides = array<i32>} : memref<26x512xf32, #tpu.memory_space<vmem>>, vector<16xf32>,
      %gather3A_386 = tpu.vector_load_idx %arg9[%broadcast_in_dim3A_376, %get3A_380] : memref<26x1000xf32, #tpu.memory_space<vmem>>[vector<16xi32>, vector<16xi32>], vector<16xf32>,
      %swap3A_387 = arith.constant 23 : i32
      %swap3A_388 = arith.index_cast %swap3A_387 : i32 to index
      %swap3A_389 = arith.index_cast %mul3A_10 : i32 to index
      %swap3A_390 = tpu.vector_load %arg11[%swap3A_388, %swap3A_389] {strides = array<i32>} : memref<26x512xf32, #tpu.memory_space<vmem>>, vector<16xf32>,
      tpu.vector_store %arg11[%swap3A_388, %swap3A_389], %gather3A_386 {strides = array<i32>} : memref<26x512xf32, #tpu.memory_space<vmem>>, vector<16xf32>,
      %broadcast_in_dim3A_391 = arith.constant 24 : i32
      %broadcast_in_dim3A_392 = vector.broadcast %broadcast_in_dim3A_391 : i32 to vector<16xi32>
      %get3A_393 = arith.constant 24 : i32
      %get3A_394 = arith.index_cast %get3A_393 : i32 to index
      %get3A_395 = arith.index_cast %mul3A_10 : i32 to index
      %get3A_396 = tpu.vector_load %arg7[%get3A_394, %get3A_395] {strides = array<i32>} : memref<26x512xi32, #tpu.memory_space<vmem>>, vector<16xi32>,
      %gather3A_397 = tpu.vector_load_idx %arg8[%broadcast_in_dim3A_392, %get3A_396] : memref<26x1000xf32, #tpu.memory_space<vmem>>[vector<16xi32>, vector<16xi32>], vector<16xf32>,
      %swap3A_398 = arith.constant 24 : i32
      %swap3A_399 = arith.index_cast %swap3A_398 : i32 to index
      %swap3A_400 = arith.index_cast %mul3A_10 : i32 to index
      %swap3A_401 = tpu.vector_load %arg10[%swap3A_399, %swap3A_400] {strides = array<i32>} : memref<26x512xf32, #tpu.memory_space<vmem>>, vector<16xf32>,
      tpu.vector_store %arg10[%swap3A_399, %swap3A_400], %gather3A_397 {strides = array<i32>} : memref<26x512xf32, #tpu.memory_space<vmem>>, vector<16xf32>,
      %gather3A_402 = tpu.vector_load_idx %arg9[%broadcast_in_dim3A_392, %get3A_396] : memref<26x1000xf32, #tpu.memory_space<vmem>>[vector<16xi32>, vector<16xi32>], vector<16xf32>,
      %swap3A_403 = arith.constant 24 : i32
      %swap3A_404 = arith.index_cast %swap3A_403 : i32 to index
      %swap3A_405 = arith.index_cast %mul3A_10 : i32 to index
      %swap3A_406 = tpu.vector_load %arg11[%swap3A_404, %swap3A_405] {strides = array<i32>} : memref<26x512xf32, #tpu.memory_space<vmem>>, vector<16xf32>,
      tpu.vector_store %arg11[%swap3A_404, %swap3A_405], %gather3A_402 {strides = array<i32>} : memref<26x512xf32, #tpu.memory_space<vmem>>, vector<16xf32>,
      %broadcast_in_dim3A_407 = arith.constant 25 : i32
      %broadcast_in_dim3A_408 = vector.broadcast %broadcast_in_dim3A_407 : i32 to vector<16xi32>
      %get3A_409 = arith.constant 25 : i32
      %get3A_410 = arith.index_cast %get3A_409 : i32 to index
      %get3A_411 = arith.index_cast %mul3A_10 : i32 to index
      %get3A_412 = tpu.vector_load %arg7[%get3A_410, %get3A_411] {strides = array<i32>} : memref<26x512xi32, #tpu.memory_space<vmem>>, vector<16xi32>,
      %gather3A_413 = tpu.vector_load_idx %arg8[%broadcast_in_dim3A_408, %get3A_412] : memref<26x1000xf32, #tpu.memory_space<vmem>>[vector<16xi32>, vector<16xi32>], vector<16xf32>,
      %swap3A_414 = arith.constant 25 : i32
      %swap3A_415 = arith.index_cast %swap3A_414 : i32 to index
      %swap3A_416 = arith.index_cast %mul3A_10 : i32 to index
      %swap3A_417 = tpu.vector_load %arg10[%swap3A_415, %swap3A_416] {strides = array<i32>} : memref<26x512xf32, #tpu.memory_space<vmem>>, vector<16xf32>,
      tpu.vector_store %arg10[%swap3A_415, %swap3A_416], %gather3A_413 {strides = array<i32>} : memref<26x512xf32, #tpu.memory_space<vmem>>, vector<16xf32>,
      %gather3A_418 = tpu.vector_load_idx %arg9[%broadcast_in_dim3A_408, %get3A_412] : memref<26x1000xf32, #tpu.memory_space<vmem>>[vector<16xi32>, vector<16xi32>], vector<16xf32>,
      %swap3A_419 = arith.constant 25 : i32
      %swap3A_420 = arith.index_cast %swap3A_419 : i32 to index
      %swap3A_421 = arith.index_cast %mul3A_10 : i32 to index
      %swap3A_422 = tpu.vector_load %arg11[%swap3A_420, %swap3A_421] {strides = array<i32>} : memref<26x512xf32, #tpu.memory_space<vmem>>, vector<16xf32>,
      tpu.vector_store %arg11[%swap3A_420, %swap3A_421], %gather3A_418 {strides = array<i32>} : memref<26x512xf32, #tpu.memory_space<vmem>>, vector<16xf32>,
    }
    %scan3A_7 = arith.constant 32 : i32
    "tpu.region"() ({
      %run_scoped3A = tpu.sem_alloc : memref<!tpu.dma_semaphore, #tpu.memory_space<semaphore_mem>>
      %dma_start3A = arith.constant 0 : i32
      %dma_start3A_8 = tpu.memref_slice %arg5[%dma_start3A, %mul3A_2] : memref<26x16384xf32, #tpu.memory_space<hbm>> -> memref<26x512xf32, #tpu.memory_space<hbm>>
      %dma_start3A_9 = arith.constant 0 : i32
      %dma_start3A_10 = tpu.memref_slice %arg5[%dma_start3A_9, %mul3A_2] : memref<26x16384xf32, #tpu.memory_space<hbm>> -> memref<26x512xf32, #tpu.memory_space<hbm>>
      tpu.enqueue_dma source(%arg10 : memref<26x512xf32, #tpu.memory_space<vmem>>) target(%dma_start3A_10 : memref<26x512xf32, #tpu.memory_space<hbm>>) target_semaphore(%run_scoped3A : memref<!tpu.dma_semaphore, #tpu.memory_space<semaphore_mem>>)
      %dma_wait3A = arith.constant 0 : i32
      %dma_wait3A_11 = tpu.memref_slice %arg5[%dma_wait3A, %mul3A_2] : memref<26x16384xf32, #tpu.memory_space<hbm>> -> memref<26x512xf32, #tpu.memory_space<hbm>>
      %dma_wait3A_12 = arith.constant 0 : i32
      %dma_wait3A_13 = tpu.memref_slice %arg5[%dma_wait3A_12, %mul3A_2] : memref<26x16384xf32, #tpu.memory_space<hbm>> -> memref<26x512xf32, #tpu.memory_space<hbm>>
      tpu.wait_dma2 semaphore(%run_scoped3A : memref<!tpu.dma_semaphore, #tpu.memory_space<semaphore_mem>>) src(%arg10 : memref<26x512xf32, #tpu.memory_space<vmem>>) dst(%dma_wait3A_13 : memref<26x512xf32, #tpu.memory_space<hbm>>)
      tpu.yield
    }) : () -> ()
    "tpu.region"() ({
      %run_scoped3A = tpu.sem_alloc : memref<!tpu.dma_semaphore, #tpu.memory_space<semaphore_mem>>
      %dma_start3A = arith.constant 0 : i32
      %dma_start3A_8 = tpu.memref_slice %arg6[%dma_start3A, %mul3A_2] : memref<26x16384xf32, #tpu.memory_space<hbm>> -> memref<26x512xf32, #tpu.memory_space<hbm>>
      %dma_start3A_9 = arith.constant 0 : i32
      %dma_start3A_10 = tpu.memref_slice %arg6[%dma_start3A_9, %mul3A_2] : memref<26x16384xf32, #tpu.memory_space<hbm>> -> memref<26x512xf32, #tpu.memory_space<hbm>>
      tpu.enqueue_dma source(%arg11 : memref<26x512xf32, #tpu.memory_space<vmem>>) target(%dma_start3A_10 : memref<26x512xf32, #tpu.memory_space<hbm>>) target_semaphore(%run_scoped3A : memref<!tpu.dma_semaphore, #tpu.memory_space<semaphore_mem>>)
      %dma_wait3A = arith.constant 0 : i32
      %dma_wait3A_11 = tpu.memref_slice %arg6[%dma_wait3A, %mul3A_2] : memref<26x16384xf32, #tpu.memory_space<hbm>> -> memref<26x512xf32, #tpu.memory_space<hbm>>
      %dma_wait3A_12 = arith.constant 0 : i32
      %dma_wait3A_13 = tpu.memref_slice %arg6[%dma_wait3A_12, %mul3A_2] : memref<26x16384xf32, #tpu.memory_space<hbm>> -> memref<26x512xf32, #tpu.memory_space<hbm>>
      tpu.wait_dma2 semaphore(%run_scoped3A : memref<!tpu.dma_semaphore, #tpu.memory_space<semaphore_mem>>) src(%arg11 : memref<26x512xf32, #tpu.memory_space<vmem>>) dst(%dma_wait3A_13 : memref<26x512xf32, #tpu.memory_space<hbm>>)
      tpu.yield
    }) : () -> ()
    return
  }
}

</mosaic_0001>

<sc_bundles>
// kernel: kernel.3.cloned.1.call-start
scs
__scs_entry_jumppad:
0x0: {  	(pc) =	sbr.rel $0x88, $3  }
0x1: {  	(tag) =	ssettag $0x0;
	lr =	simm.s32 $0x1  }
0x2: {  	[smem:$0x3F9E] =	sst lr;
	_ =	strace $0xD0000000  }
0x3: {  	_ = 	snop  }
0x4: {  	_ = 	snop  }
0x5: {  	_ = 	snop  }
0x6: {  	_ = 	snop  }
0x7: {  	_ = 	snop  }
__scs_overlays_trampoline_lowered:
0x8: {  	[smem:$0x3FAD] =	sst s0  }
0x9: {  	[smem:$0x3FAE] =	sst s1  }
0xa: {  	[smem:$0x3FAF] =	sst s2  }
0xb: {  	[smem:$0x3FB0] =	sst s3  }
0xc: {  	[smem:$0x3FB1] =	sst s4  }
0xd: {  	[smem:$0x3FB2] =	sst s5  }
0xe: {  	[smem:$0x3FB3] =	sst s6  }
0xf: {  	[smem:$0x3FB4] =	sst s7  }
0x10: {  	[smem:$0x3FB5] =	sst s8  }
0x11: {  	[smem:$0x3FB6] =	sst s9;
	s0 =	simm.s32 @!p0 $0x0  }
0x12: {  	s1 =	sld [smem:$0x3F9C];
	s0 =	simm.s32 @p0 $0x1  }
0x13: {  	[smem:$0x3FB7] =	sst s0;
	s0 =	simm.s32 @!p1 $0x0  }
0x14: {  	s2 =	sld [smem:$0x3F9B];
	s0 =	simm.s32 @p1 $0x1  }
0x15: {  	[smem:$0x3FB8] =	sst s0;
	s0 =	simm.s32 @!p2 $0x0  }
0x16: {  	s3 =	sld [smem:$0x3FDB];
	s0 =	simm.s32 @p2 $0x1  }
0x17: {  	s4 =	simm.s32 $0x1BF5;
	[smem:$0x3FBA] =	sst s0  }
0x18: {  	s0 =	sld [smem:$0x3F9D];
	_ =	swait.ge [sflag:s4], $0x0  }
0x19: {  	s7 =	sld [smem:$0x3F9E]  }
0x1a: {  	s8 =	sadd.s32 $0xFFFFE003, lr  }
0x1b: {  	s9 =	sadd.s32 $0xFFFFFEF7, lr;
	s5 =	simm.s32 $0xFFFFFFFF;
	p2 =	slt.u32 s8, $0xFFFFF086  }
0x1c: {  	p1 =	slt.u32 s9, $0xF7A;
	s5 =	simm.s32 @!p2 $0x0  }
0x1d: {  	s5 =	simm.s32 @p1 $0x1;
	p0 =	seq.s32 s7, s2  }
0x1e: {  	s7 =	smul.u32 @!p0 $0xF7A, s2;
	p2 =	seq.s32 @!p0 s5, $0x0  }
0x1f: {  	s9 =	smul.u32 $0xF7A, s1;
	s8 =	simm.s32 @!p0 $0x1BF5;
	p2 =	por !p2, p0  }
0x20: {  	[sflag:s8] =	ssyncset.s32 @!p0 $0xFFFFF086;
	s6 =	sadd.s32 @!p0 s3, s7;
	s7 =	simm.s32 @!p0 $0x108  }
0x21: {  	s3 =	sadd.s32 s3, s9;
	s6 =	sadd.s32 @!p0 $0x88, s6;
	s7 =	simm.s32 @p2 $0x1082  }
0x22: {  	[simem:s7], [sflag:s8] =	dma.local @!p0 [hbm:s6], $0xF7A  }
0x23: {  	s9 =	sor.u32 $0xD0000000, s2;
	s6 =	simm.s32 $0x108;
	_ =	swait.ge @!p0 [sflag:s8], $0x0  }
0x24: {  	s3 =	sadd.s32 $0x88, s3;
	s6 =	simm.s32 @!p1 $0x1082;
	[sflag:s4] =	ssyncset.s32 $0xFFFFF086  }
0x25: {  	[simem:s6], [sflag:s4] =	dma.local [hbm:s3], $0xF7A  }
0x26: {  	[smem:$0x3F9E] =	sst s1;
	(tag) =	ssettag s2;
	_ =	strace s9  }
0x27: {  	s1 =	sld [smem:$0x3FAE]  }
0x28: {  	s2 =	sld [smem:$0x3FAF]  }
0x29: {  	s4 =	sld [smem:$0x3FB1]  }
0x2a: {  	p0 =	seq.s32 s5, $0x0;
	s5 =	sld [smem:$0x3FB2]  }
0x2b: {  	s6 =	sld [smem:$0x3FB3]  }
0x2c: {  	s7 =	sld [smem:$0x3FB4]  }
0x2d: {  	s3 =	simm.s32 $0x108;
	s8 =	sld [smem:$0x3FB5]  }
0x2e: {  	s3 =	simm.s32 @!p0 $0x1082;
	s9 =	sld [smem:$0x3FB6]  }
0x2f: {  	lr =	sadd.s32 s0, s3;
	s0 =	sld [smem:$0x3FAD]  }
0x30: {  	s3 =	sld [smem:$0x3FB0]  }
0x31: {  	[smem:$0x3FB9] =	sst s10  }
0x32: {  	s10 =	sld [smem:$0x3FB7];
	_ =	sdelay $0x3  }
0x33: {  	p0 =	seq.s32 s10, $0x1;
	s10 =	sld [smem:$0x3FB9];
	_ =	sdelay $0x3  }
0x34: {  	[smem:$0x3FB9] =	sst s10  }
0x35: {  	s10 =	sld [smem:$0x3FB8];
	_ =	sdelay $0x3  }
0x36: {  	p1 =	seq.s32 s10, $0x1;
	s10 =	sld [smem:$0x3FB9];
	_ =	sdelay $0x3  }
0x37: {  	[smem:$0x3FB9] =	sst s10  }
0x38: {  	s10 =	sld [smem:$0x3FBA]  }
0x39: {  	_ = 	snop;
	(pc) =	sbr.ind lr, $3  }
0x3a: {  	_ = 	snop  }
0x3b: {  	_ = 	snop  }
0x3c: {  	p2 =	seq.s32 s10, $0x1;
	s10 =	sld [smem:$0x3FB9]  }
0x3d: {  	_ =	shalt  }
0x3e: {  	_ =	shalt  }
0x3f: {  	_ =	shalt  }
0x40: {  	_ =	shalt  }
0x41: {  	_ =	shalt  }
0x42: {  	_ =	shalt  }
0x43: {  	_ =	shalt  }
0x44: {  	_ =	shalt  }
0x45: {  	_ =	shalt  }
0x46: {  	_ =	shalt  }
0x47: {  	_ =	shalt  }
0x48: {  	_ =	shalt  }
0x49: {  	_ =	shalt  }
0x4a: {  	_ =	shalt  }
0x4b: {  	_ =	shalt  }
0x4c: {  	_ =	shalt  }
0x4d: {  	_ =	shalt  }
0x4e: {  	_ =	shalt  }
0x4f: {  	_ =	shalt  }
0x50: {  	_ =	shalt  }
0x51: {  	_ =	shalt  }
0x52: {  	_ =	shalt  }
0x53: {  	_ =	shalt  }
0x54: {  	_ =	shalt  }
0x55: {  	_ =	shalt  }
0x56: {  	_ =	shalt  }
0x57: {  	_ =	shalt  }
0x58: {  	_ =	shalt  }
0x59: {  	_ =	shalt  }
0x5a: {  	_ =	shalt  }
0x5b: {  	_ =	shalt  }
0x5c: {  	_ =	shalt  }
0x5d: {  	_ =	shalt  }
0x5e: {  	_ =	shalt  }
0x5f: {  	_ =	shalt  }
0x60: {  	_ =	shalt  }
0x61: {  	_ =	shalt  }
0x62: {  	_ =	shalt  }
0x63: {  	_ =	shalt  }
0x64: {  	_ =	shalt  }
0x65: {  	_ =	shalt  }
0x66: {  	_ =	shalt  }
0x67: {  	_ =	shalt  }
0x68: {  	_ =	shalt  }
0x69: {  	_ =	shalt  }
0x6a: {  	_ =	shalt  }
0x6b: {  	_ =	shalt  }
0x6c: {  	_ =	shalt  }
0x6d: {  	_ =	shalt  }
0x6e: {  	_ =	shalt  }
0x6f: {  	_ =	shalt  }
0x70: {  	_ =	shalt  }
0x71: {  	_ =	shalt  }
0x72: {  	_ =	shalt  }
0x73: {  	_ =	shalt  }
0x74: {  	_ =	shalt  }
0x75: {  	_ =	shalt  }
0x76: {  	_ =	shalt  }
0x77: {  	_ =	shalt  }
0x78: {  	_ =	shalt  }
0x79: {  	_ =	shalt  }
0x7a: {  	_ =	shalt  }
0x7b: {  	_ =	shalt  }
0x7c: {  	_ =	shalt  }
0x7d: {  	_ =	shalt  }
0x7e: {  	_ =	shalt  }
0x7f: {  	_ =	shalt  }
0x80: {  	_ =	shalt  }
0x81: {  	_ =	shalt  }
0x82: {  	_ =	shalt  }
0x83: {  	_ =	shalt  }
0x84: {  	_ =	shalt  }
0x85: {  	_ =	shalt  }
0x86: {  	_ =	shalt  }
0x87: {  	_ =	shalt  }
.Lfunc_end0:
.L_simem_size_0:
called_computation_lowered:
.L_overlay_start_0:
0x88: {  	s2 =	sld [smem:$0x3FD9]  }
0x89: {  	s3 =	sld [smem:$0x3FFE];
	_ =	sdelay $0x1  }
0x8a: {  	s1 =	srdreg.scid  }
0x8b: {  	s0 =	sand.u32 $0x1, s1  }
0x8c: {  	s15 =	sshll.u32 s0, $0xA;
	s2 =	sadd.s32 s3, s2  }
0x8d: {  	s2 =	sadd.s32 s2, s15  }
0x8e: {  	[smem:$0x3FC5] =	sst s2  }
0x8f: {  	_ = 	snop  }
0x90: {  	s2 =	sld [smem:$0x3FD0]  }
0x91: {  	s16 =	sld [smem:$0x3FC9]  }
0x92: {  	s4 =	sld [smem:$0x3FC8]  }
0x93: {  	s6 =	simm.s32 $0xA;
	s7 =	simm.s32 $0x10;
	s5 =	sld [smem:$0x3FC7]  }
0x94: {  	[smem:s7], [sflag:s6] =	dma.local [hbm:s2], $0x1  }
0x95: {  	_ =	swait.eq [sflag:s6], $0x1  }
0x96: {  	[sflag:s6] =	ssyncset.done $0x0  }
0x97: {  	s17 =	sld [smem:$0x10];
	[sflag:s6] =	ssyncadd.s32 $0xFFFFFFFF  }
0x98: {  	s18 =	sld [smem:$0x11];
	(tm) =	ssettm $0x1  }
0x99: {  	s19 =	sld [smem:$0x3FFB];
	_ =	sdelay $0x3  }
0x9a: {  	_ =	strace s19  }
0x9b: {  	s7 =	sld [smem:$0x3FFC];
	_ =	sdelay $0x3  }
0x9c: {  	_ =	strace s7  }
0x9d: {  	s7 =	sld [smem:$0x3FFD];
	_ =	sdelay $0x3  }
0x9e: {  	_ =	strace s7  }
0x9f: {  	_ =	strace $0x8FFFFFFF  }
0xa0: {  	s20 =	sld [smem:$0x3FDB];
	_ =	sdelay $0x1  }
0xa1: {  	s8 =	simm.s32 $_scs_section_size  }
0xa2: {  	s9 =	simm.s32 $_size__tile_overlayer_lowered;
	s10 =	simm.s32 $_tile_overlayer_lowered  }
0xa3: {  	s23 =	simm.s32 $0x1BFF;
	s22 =	sshll.u32 s10, $0x1;
	s7 =	sadd.s32 s8, s20  }
0xa4: {  	s11 =	simm.s32 $0x0;
	s21 =	sshll.u32 s9, $0x1;
	s9 =	sadd.s32 s22, s7  }
0xa5: {  	[timem:s11], [sflag:s23] =	dma.local [hbm:s9], s21  }
0xa6: {  	_ =	swait.ge [sflag:s23], s21  }
0xa7: {  	s8 =	ssub.s32 $0x0, s21;
	[sflag:s23] =	ssyncset.done $0x0  }
0xa8: {  	[sflag:s23] =	ssyncadd.s32 s8;
	_ =	sdelay $0x1  }
0xa9: {  	s24 =	simm.s32 $0x1B8B  }
0xaa: {  	_ =	swait.ge [sflag:s24], $0x1  }
0xab: {  	[sflag:s24] =	ssyncset.done $0x0  }
0xac: {  	s25 =	simm.s32 $0x1B8E;
	[sflag:s24] =	ssyncadd.s32 $0xFFFFFFFF  }
0xad: {  	s26 =	simm.s32 $execute0_lowered;
	[smem:$0x3FD2] =	sst s25  }
0xae: {  	s8 =	sshll.u32 s26, $0x1;
	_ =	strace $0x80000046;
	[dreg:$0x1] =	wrdreg $0xFFFFFFFF  }
0xaf: {  	s28 =	simm.s32 $_size_execute0_lowered;
	s7 =	sadd.s32 s7, s8;
	[dreg:$0x0] =	wrdreg $0x0  }
0xb0: {  	s8 =	sshll.u32 s28, $0x1;
	[dreg:$0x2] =	wrdreg s7  }
0xb1: {  	[dreg:$0x3] =	wrdreg s8  }
0xb2: {  	[dreg:$0x4] =	wrdreg $0xC0  }
0xb3: {  	_ =	task [dreg:s11], $0x5FFFF  }
0xb4: {  	[dreg:$0x1] =	wrdreg $0xFFFFFFFF  }
0xb5: {  	[dreg:$0x0] =	wrdreg $0x60  }
0xb6: {  	[dreg:$0x2] =	wrdreg s16  }
0xb7: {  	[dreg:$0x3] =	wrdreg s4  }
0xb8: {  	[dreg:$0x4] =	wrdreg s5  }
0xb9: {  	[dreg:$0x5] =	wrdreg s17  }
0xba: {  	[dreg:$0x6] =	wrdreg s18  }
0xbb: {  	[dreg:$0x7] =	wrdreg $0x9  }
0xbc: {  	_ =	task.clear_ibuf [dreg:s11], $0x8FFFF;
	_ =	strace $0x90000046  }
0xbd: {  	s29 =	simm.s32 $0x9;
	_ =	strace $0x80000048  }
0xbe: {  	_ =	swait.ge [sflag:s29], $0x1  }
0xbf: {  	[sflag:s29] =	ssyncadd.s32 $0xFFFFFFFF  }
0xc0: {  	_ =	strace $0x90000048  }
0xc1: {  	_ =	sfence  }
0xc2: {  	s30 =	sld [smem:$0x0];
	_ =	sdelay $0x2  }
0xc3: {  	s31 =	sshll.u32 s1, $0xD;
	s1 =	sshrl.u32 s1, $0x2  }
0xc4: {  	s3 =	sand.u32 $0x4000, s31;
	s1 =	sadd.s32 s1, s30  }
0xc5: {  	s0 =	sor.u32 s3, s0;
	s1 =	sshll.u32 s1, $0x11  }
0xc6: {  	s0 =	sor.u32 s1, s0  }
0xc7: {  	s0 =	sadd.s32 $0x8F2B, s0  }
0xc8: {  	[sflag:s0] =	ssyncadd.remote.s32 $0x1  }
0xc9: {  	_ =	sfence.sel $0xFFFF  }
0xca: {  	[dreg:$0x0] =	wrdreg $0xFFFFFFFF;
	(pc) =	sbr.abs _section_cstart, $3  }
0xcb: {  	[dreg:$0x1] =	wrdreg $0xFFFFFFFF  }
0xcc: {  	_ =	task.clear_ibuf [dreg:s11], $0x2FFFF;
	_ =	strace $0x9FFFFFFF  }
0xcd: {  	(tm) =	ssettm $0x7FFFFFFF  }
tec
execute0_lowered:
.L_overlay_start_1:
0x0: {  	(tag) =	ssettag $0x1  }
0x1: {  	s5 =	rddreg [dreg:$0x0]  }
0x2: {  	s1 =	rddreg [dreg:$0x1]  }
0x3: {  	s2 =	rddreg [dreg:$0x2]  }
0x4: {  	s6 =	rddreg [dreg:$0x3]  }
0x5: {  	s7 =	rddreg [dreg:$0x4];
	s3 =	srdreg.scid  }
0x6: {  	s0 =	rddreg [dreg:$0x5];
	s4 =	simm.s32 $0x0;
	s12 =	simm.s32 $0x4000  }
0x7: {  	s13 =	simm.s32 $0xC000;
	s14 =	simm.s32 $0x14000;
	s15 =	simm.s32 $0x18000  }
0x8: {  	s16 =	simm.s32 $0x0;
	s8 =	sand.u32 $0x1, s3;
	[smem:$0x7FF] =	sst s4  }
0x9: {  	s3 =	stileid.u32;
	s9 =	ssub.s32 $0x2, s8;
	s8 =	sshll.u32 s8, $0xD  }
0xa: {  	s11 =	sshll.u32 s3, $0x9;
	_ =	strace $0x80000047;
	s10 =	sshrl.u32 s9, $0x1  }
0xb: {  	s8 =	sor.u32 s11, s8;
	s11 =	simm.s32 $0x1;
	s9 =	ssub.s32 s9, s10  }
0xc: {  	s5 =	sadd.s32 s5, s8;
	s6 =	sadd.s32 s6, s8;
	s7 =	sadd.s32 s7, s8  }
0xd: {  	s10 =	simm.s32 $0x20000;
	s8 =	smax.u32 s9, $0x1;
	s9 =	simm.s32 $0x1000  }
.LBB2_1:
0xe: {  	[tilespmem:s4], [sflag:$0x1] =	stream.strided.gather [hbm4b:s5+s9], $0x4000, s10, s9, $0x38;
	[tilespmem:$0x1C000] =	vst v63  }
0xf: {  	_ =	swait.ge [sflag:s11], $0x4000  }
0x10: {  	[sflag:s11] =	ssyncset.done $0x0  }
0x11: {  	[sflag:s11] =	ssyncadd.s32 $0xFFFFC000  }
0x12: {  	[tilespmem:s12], [sflag:$0x1] =	stream.linear.gather [hbm4b:s1+s4], $0x8000, $0x38;
	[tilespmem:$0x1C000] =	vst v63  }
0x13: {  	_ =	swait.ge [sflag:s11], $0x8000  }
0x14: {  	[sflag:s11] =	ssyncset.done $0x0  }
0x15: {  	[sflag:s11] =	ssyncadd.s32 $0xFFFF8000  }
0x16: {  	[tilespmem:s13], [sflag:$0x1] =	stream.linear.gather [hbm4b:s2+s4], $0x8000, $0x38;
	[tilespmem:$0x1C000] =	vst v63  }
0x17: {  	_ =	swait.ge [sflag:s11], $0x8000  }
0x18: {  	[sflag:s11] =	ssyncset.done $0x0  }
0x19: {  	s17 =	simm.s32 $0x0;
	s18 =	simm.s32 $0x0;
	[sflag:s11] =	ssyncadd.s32 $0xFFFF8000  }
.LBB2_2:
0x1a: {  	s19 =	sand.u32 $0x70, s18;
	s20 =	sand.u32 $0xC00, s17  }
0x1b: {  	s19 =	sor.u32 s19, s20  }
0x1c: {  	v0 =	vld [tilespmem:s19+$0x0];
	_ =	sdelay $0x4  }
0x1d: {  	v1 =	vshll.u32 v0, $0x3  }
0x1e: {  	v0 =	vand.u32 $0x7F, v0;
	v1 =	vand.u32 $0xFFFFFC00, v1  }
0x1f: {  	v0 =	vor.u32 v0, v1;
	_ =	sdelay $0x3  }
0x20: {  	v54 =	vld [tilespmem:s19+$0x80]  }
0x21: {  	v2 =	vld.idx.msk [tilespmem:v0+s12+$0x0], $0xffff;
	_ =	sdelay $0x3  }
0x22: {  	v3 =	vshll.u32 v54, $0x3  }
0x23: {  	v55 =	vand.u32 $0xFFFFFC00, v3;
	v1 =	vand.u32 $0x7F, v54;
	[tilespmem:s19+$0x14000] =	vst v2  }
0x24: {  	v1 =	vor.u32 v55, v1;
	v0 =	vld.idx.msk [tilespmem:v0+s13+$0x0], $0xffff  }
0x25: {  	v1 =	vor.u32 $0x80, v1;
	_ =	sdelay $0x3  }
0x26: {  	v56 =	vld [tilespmem:s19+$0x100];
	[tilespmem:s19+$0x18000] =	vst v0  }
0x27: {  	v57 =	vld.idx.msk [tilespmem:v1+s12+$0x0], $0xffff;
	_ =	sdelay $0x3  }
0x28: {  	v58 =	vshll.u32 v56, $0x3  }
0x29: {  	v59 =	vand.u32 $0xFFFFFC00, v58;
	v0 =	vand.u32 $0x7F, v56;
	[tilespmem:s19+$0x14080] =	vst v57  }
0x2a: {  	v0 =	vor.u32 v59, v0;
	v1 =	vld.idx.msk [tilespmem:v1+s13+$0x0], $0xffff  }
0x2b: {  	v0 =	vor.u32 $0x100, v0;
	_ =	sdelay $0x3  }
0x2c: {  	[tilespmem:s19+$0x18080] =	vst v1  }
0x2d: {  	v1 =	vld.idx.msk [tilespmem:v0+s12+$0x0], $0xffff;
	_ =	sdelay $0x4  }
0x2e: {  	[tilespmem:s19+$0x14100] =	vst v1  }
0x2f: {  	v0 =	vld.idx.msk [tilespmem:v0+s13+$0x0], $0xffff;
	_ =	sdelay $0x2  }
0x30: {  	s26 =	sand.u32 $0xFFFFFC00, s17  }
0x31: {  	s20 =	sadd.s32 s26, s18  }
0x32: {  	s21 =	sor.u32 $0x180, s20;
	[tilespmem:s19+$0x18100] =	vst v0  }
0x33: {  	v0 =	vld [tilespmem:s21+$0x0];
	_ =	sdelay $0x4  }
0x34: {  	v60 =	vshll.u32 v0, $0x3  }
0x35: {  	v0 =	vand.u32 $0x7F, v0;
	v1 =	vand.u32 $0xFFFFFC00, v60  }
0x36: {  	v0 =	vor.u32 v1, v0  }
0x37: {  	v0 =	vor.u32 $0x180, v0;
	_ =	sdelay $0x4  }
0x38: {  	v61 =	vld.idx.msk [tilespmem:v0+s12+$0x0], $0xffff;
	_ =	sdelay $0x4  }
0x39: {  	[tilespmem:s21+$0x14000] =	vst v61  }
0x3a: {  	v0 =	vld.idx.msk [tilespmem:v0+s13+$0x0], $0xffff;
	_ =	sdelay $0x4  }
0x3b: {  	[tilespmem:s21+$0x18000] =	vst v0  }
0x3c: {  	v0 =	vld [tilespmem:s19+$0x200];
	_ =	sdelay $0x4  }
0x3d: {  	v62 =	vshll.u32 v0, $0x3  }
0x3e: {  	v0 =	vand.u32 $0x7F, v0;
	v1 =	vand.u32 $0xFFFFFC00, v62  }
0x3f: {  	v0 =	vor.u32 v1, v0  }
0x40: {  	v0 =	vor.u32 $0x200, v0;
	_ =	sdelay $0x3  }
0x41: {  	v63 =	vld [tilespmem:s19+$0x280]  }
0x42: {  	v6 =	vld.idx.msk [tilespmem:v0+s12+$0x0], $0xffff;
	_ =	sdelay $0x3  }
0x43: {  	v7 =	vshll.u32 v63, $0x3  }
0x44: {  	v8 =	vand.u32 $0xFFFFFC00, v7;
	v1 =	vand.u32 $0x7F, v63;
	[tilespmem:s19+$0x14200] =	vst v6  }
0x45: {  	v1 =	vor.u32 v8, v1;
	v0 =	vld.idx.msk [tilespmem:v0+s13+$0x0], $0xffff  }
0x46: {  	v1 =	vor.u32 $0x280, v1;
	_ =	sdelay $0x3  }
0x47: {  	v9 =	vld [tilespmem:s19+$0x300];
	[tilespmem:s19+$0x18200] =	vst v0  }
0x48: {  	v10 =	vld.idx.msk [tilespmem:v1+s12+$0x0], $0xffff;
	_ =	sdelay $0x3  }
0x49: {  	v11 =	vshll.u32 v9, $0x3  }
0x4a: {  	v12 =	vand.u32 $0xFFFFFC00, v11;
	v0 =	vand.u32 $0x7F, v9;
	[tilespmem:s19+$0x14280] =	vst v10  }
0x4b: {  	v0 =	vor.u32 v12, v0;
	v1 =	vld.idx.msk [tilespmem:v1+s13+$0x0], $0xffff  }
0x4c: {  	v0 =	vor.u32 $0x300, v0;
	_ =	sdelay $0x3  }
0x4d: {  	[tilespmem:s19+$0x18280] =	vst v1  }
0x4e: {  	v1 =	vld.idx.msk [tilespmem:v0+s12+$0x0], $0xffff;
	_ =	sdelay $0x4  }
0x4f: {  	[tilespmem:s19+$0x14300] =	vst v1  }
0x50: {  	v0 =	vld.idx.msk [tilespmem:v0+s13+$0x0], $0xffff;
	_ =	sdelay $0x3  }
0x51: {  	s28 =	sor.u32 s18, s17  }
0x52: {  	s22 =	sor.u32 $0x380, s28;
	[tilespmem:s19+$0x18300] =	vst v0  }
0x53: {  	v0 =	vld [tilespmem:s22+$0x0];
	_ =	sdelay $0x4  }
0x54: {  	v13 =	vshll.u32 v0, $0x3  }
0x55: {  	v0 =	vand.u32 $0x7F, v0;
	v1 =	vand.u32 $0xFFFFFC00, v13  }
0x56: {  	v0 =	vor.u32 v1, v0  }
0x57: {  	v0 =	vor.u32 $0x380, v0;
	_ =	sdelay $0x4  }
0x58: {  	v14 =	vld.idx.msk [tilespmem:v0+s12+$0x0], $0xffff;
	_ =	sdelay $0x4  }
0x59: {  	[tilespmem:s22+$0x14000] =	vst v14  }
0x5a: {  	v0 =	vld.idx.msk [tilespmem:v0+s13+$0x0], $0xffff;
	_ =	sdelay $0x4  }
0x5b: {  	[tilespmem:s22+$0x18000] =	vst v0  }
0x5c: {  	v0 =	vld [tilespmem:s19+$0x1000];
	_ =	sdelay $0x4  }
0x5d: {  	v15 =	vshll.u32 v0, $0x3  }
0x5e: {  	v0 =	vand.u32 $0x7F, v0;
	v1 =	vand.u32 $0xFFFFFC00, v15  }
0x5f: {  	v0 =	vor.u32 v0, v1  }
0x60: {  	v0 =	vadd.s32 $0x2000, v0;
	_ =	sdelay $0x3  }
0x61: {  	v16 =	vld [tilespmem:s19+$0x1080]  }
0x62: {  	v17 =	vld.idx.msk [tilespmem:v0+s12+$0x0], $0xffff;
	_ =	sdelay $0x3  }
0x63: {  	v18 =	vshll.u32 v16, $0x3  }
0x64: {  	v19 =	vand.u32 $0xFFFFFC00, v18;
	v1 =	vand.u32 $0x7F, v16;
	[tilespmem:s19+$0x15000] =	vst v17  }
0x65: {  	v1 =	vor.u32 v1, v19;
	v0 =	vld.idx.msk [tilespmem:v0+s13+$0x0], $0xffff  }
0x66: {  	v1 =	vadd.s32 $0x2080, v1;
	_ =	sdelay $0x3  }
0x67: {  	v20 =	vld [tilespmem:s19+$0x1100];
	[tilespmem:s19+$0x19000] =	vst v0  }
0x68: {  	v21 =	vld.idx.msk [tilespmem:v1+s12+$0x0], $0xffff;
	_ =	sdelay $0x3  }
0x69: {  	v22 =	vshll.u32 v20, $0x3  }
0x6a: {  	v23 =	vand.u32 $0xFFFFFC00, v22;
	v0 =	vand.u32 $0x7F, v20;
	[tilespmem:s19+$0x15080] =	vst v21  }
0x6b: {  	v0 =	vor.u32 v0, v23;
	v1 =	vld.idx.msk [tilespmem:v1+s13+$0x0], $0xffff  }
0x6c: {  	v0 =	vadd.s32 $0x2100, v0;
	_ =	sdelay $0x3  }
0x6d: {  	[tilespmem:s19+$0x19080] =	vst v1  }
0x6e: {  	v1 =	vld.idx.msk [tilespmem:v0+s12+$0x0], $0xffff;
	_ =	sdelay $0x4  }
0x6f: {  	[tilespmem:s19+$0x15100] =	vst v1  }
0x70: {  	v0 =	vld.idx.msk [tilespmem:v0+s13+$0x0], $0xffff;
	_ =	sdelay $0x4  }
0x71: {  	s29 =	sor.u32 $0x1180, s20;
	[tilespmem:s19+$0x19100] =	vst v0  }
0x72: {  	v0 =	vld [tilespmem:s29+$0x0];
	_ =	sdelay $0x4  }
0x73: {  	v24 =	vshll.u32 v0, $0x3  }
0x74: {  	v0 =	vand.u32 $0x7F, v0;
	v1 =	vand.u32 $0xFFFFFC00, v24  }
0x75: {  	v0 =	vor.u32 v0, v1  }
0x76: {  	v0 =	vadd.s32 $0x2180, v0;
	_ =	sdelay $0x4  }
0x77: {  	v25 =	vld.idx.msk [tilespmem:v0+s12+$0x0], $0xffff;
	_ =	sdelay $0x4  }
0x78: {  	[tilespmem:s29+$0x14000] =	vst v25  }
0x79: {  	v0 =	vld.idx.msk [tilespmem:v0+s13+$0x0], $0xffff;
	_ =	sdelay $0x4  }
0x7a: {  	[tilespmem:s29+$0x18000] =	vst v0  }
0x7b: {  	v0 =	vld [tilespmem:s19+$0x1200];
	_ =	sdelay $0x4  }
0x7c: {  	v26 =	vshll.u32 v0, $0x3  }
0x7d: {  	v0 =	vand.u32 $0x7F, v0;
	v1 =	vand.u32 $0xFFFFFC00, v26  }
0x7e: {  	v0 =	vor.u32 v0, v1  }
0x7f: {  	v0 =	vadd.s32 $0x2200, v0;
	_ =	sdelay $0x3  }
0x80: {  	v27 =	vld [tilespmem:s19+$0x1280]  }
0x81: {  	v28 =	vld.idx.msk [tilespmem:v0+s12+$0x0], $0xffff;
	_ =	sdelay $0x3  }
0x82: {  	v29 =	vshll.u32 v27, $0x3  }
0x83: {  	v30 =	vand.u32 $0xFFFFFC00, v29;
	v1 =	vand.u32 $0x7F, v27;
	[tilespmem:s19+$0x15200] =	vst v28  }
0x84: {  	v1 =	vor.u32 v1, v30;
	v0 =	vld.idx.msk [tilespmem:v0+s13+$0x0], $0xffff  }
0x85: {  	v1 =	vadd.s32 $0x2280, v1;
	_ =	sdelay $0x3  }
0x86: {  	v31 =	vld [tilespmem:s19+$0x1300];
	[tilespmem:s19+$0x19200] =	vst v0  }
0x87: {  	v32 =	vld.idx.msk [tilespmem:v1+s12+$0x0], $0xffff;
	_ =	sdelay $0x3  }
0x88: {  	v33 =	vshll.u32 v31, $0x3  }
0x89: {  	v34 =	vand.u32 $0xFFFFFC00, v33;
	v0 =	vand.u32 $0x7F, v31;
	[tilespmem:s19+$0x15280] =	vst v32  }
0x8a: {  	v0 =	vor.u32 v0, v34;
	v1 =	vld.idx.msk [tilespmem:v1+s13+$0x0], $0xffff  }
0x8b: {  	v0 =	vadd.s32 $0x2300, v0;
	_ =	sdelay $0x3  }
0x8c: {  	[tilespmem:s19+$0x19280] =	vst v1  }
0x8d: {  	v1 =	vld.idx.msk [tilespmem:v0+s12+$0x0], $0xffff;
	_ =	sdelay $0x4  }
0x8e: {  	[tilespmem:s19+$0x15300] =	vst v1  }
0x8f: {  	v0 =	vld.idx.msk [tilespmem:v0+s13+$0x0], $0xffff;
	_ =	sdelay $0x4  }
0x90: {  	s30 =	sor.u32 $0x1380, s28;
	[tilespmem:s19+$0x19300] =	vst v0  }
0x91: {  	v0 =	vld [tilespmem:s30+$0x0];
	_ =	sdelay $0x4  }
0x92: {  	v35 =	vshll.u32 v0, $0x3  }
0x93: {  	v0 =	vand.u32 $0x7F, v0;
	v1 =	vand.u32 $0xFFFFFC00, v35  }
0x94: {  	v0 =	vor.u32 v0, v1  }
0x95: {  	v0 =	vadd.s32 $0x2380, v0;
	_ =	sdelay $0x4  }
0x96: {  	v36 =	vld.idx.msk [tilespmem:v0+s12+$0x0], $0xffff;
	_ =	sdelay $0x4  }
0x97: {  	[tilespmem:s30+$0x14000] =	vst v36  }
0x98: {  	v0 =	vld.idx.msk [tilespmem:v0+s13+$0x0], $0xffff;
	_ =	sdelay $0x4  }
0x99: {  	[tilespmem:s30+$0x18000] =	vst v0  }
0x9a: {  	v0 =	vld [tilespmem:s19+$0x2000];
	_ =	sdelay $0x4  }
0x9b: {  	v37 =	vshll.u32 v0, $0x3  }
0x9c: {  	v0 =	vand.u32 $0x7F, v0;
	v1 =	vand.u32 $0xFFFFFC00, v37  }
0x9d: {  	v0 =	vor.u32 v0, v1  }
0x9e: {  	v0 =	vadd.s32 $0x4000, v0;
	_ =	sdelay $0x3  }
0x9f: {  	v38 =	vld [tilespmem:s19+$0x2080]  }
0xa0: {  	v39 =	vld.idx.msk [tilespmem:v0+s12+$0x0], $0xffff;
	_ =	sdelay $0x3  }
0xa1: {  	v40 =	vshll.u32 v38, $0x3  }
0xa2: {  	v41 =	vand.u32 $0xFFFFFC00, v40;
	v1 =	vand.u32 $0x7F, v38;
	[tilespmem:s19+$0x16000] =	vst v39  }
0xa3: {  	v1 =	vor.u32 v1, v41;
	v0 =	vld.idx.msk [tilespmem:v0+s13+$0x0], $0xffff  }
0xa4: {  	v1 =	vadd.s32 $0x4080, v1;
	_ =	sdelay $0x3  }
0xa5: {  	v42 =	vld [tilespmem:s19+$0x2100];
	[tilespmem:s19+$0x1A000] =	vst v0  }
0xa6: {  	v43 =	vld.idx.msk [tilespmem:v1+s12+$0x0], $0xffff;
	_ =	sdelay $0x3  }
0xa7: {  	v44 =	vshll.u32 v42, $0x3  }
0xa8: {  	v45 =	vand.u32 $0xFFFFFC00, v44;
	v0 =	vand.u32 $0x7F, v42;
	[tilespmem:s19+$0x16080] =	vst v43  }
0xa9: {  	v0 =	vor.u32 v0, v45;
	v1 =	vld.idx.msk [tilespmem:v1+s13+$0x0], $0xffff  }
0xaa: {  	v0 =	vadd.s32 $0x4100, v0;
	_ =	sdelay $0x3  }
0xab: {  	[tilespmem:s19+$0x1A080] =	vst v1  }
0xac: {  	v1 =	vld.idx.msk [tilespmem:v0+s12+$0x0], $0xffff;
	_ =	sdelay $0x4  }
0xad: {  	[tilespmem:s19+$0x16100] =	vst v1  }
0xae: {  	v0 =	vld.idx.msk [tilespmem:v0+s13+$0x0], $0xffff;
	_ =	sdelay $0x4  }
0xaf: {  	s20 =	sor.u32 $0x2180, s20;
	[tilespmem:s19+$0x1A100] =	vst v0  }
0xb0: {  	v0 =	vld [tilespmem:s20+$0x0];
	_ =	sdelay $0x4  }
0xb1: {  	v46 =	vshll.u32 v0, $0x3  }
0xb2: {  	v0 =	vand.u32 $0x7F, v0;
	v1 =	vand.u32 $0xFFFFFC00, v46  }
0xb3: {  	v0 =	vor.u32 v0, v1  }
0xb4: {  	v0 =	vadd.s32 $0x4180, v0;
	_ =	sdelay $0x4  }
0xb5: {  	v47 =	vld.idx.msk [tilespmem:v0+s12+$0x0], $0xffff;
	_ =	sdelay $0x4  }
0xb6: {  	[tilespmem:s20+$0x14000] =	vst v47  }
0xb7: {  	v0 =	vld.idx.msk [tilespmem:v0+s13+$0x0], $0xffff;
	_ =	sdelay $0x4  }
0xb8: {  	[tilespmem:s20+$0x18000] =	vst v0  }
0xb9: {  	v0 =	vld [tilespmem:s19+$0x2200];
	_ =	sdelay $0x4  }
0xba: {  	v48 =	vshll.u32 v0, $0x3  }
0xbb: {  	v0 =	vand.u32 $0x7F, v0;
	v1 =	vand.u32 $0xFFFFFC00, v48  }
0xbc: {  	v0 =	vor.u32 v0, v1  }
0xbd: {  	v0 =	vadd.s32 $0x4200, v0;
	_ =	sdelay $0x3  }
0xbe: {  	v49 =	vld [tilespmem:s19+$0x2280]  }
0xbf: {  	v50 =	vld.idx.msk [tilespmem:v0+s12+$0x0], $0xffff;
	_ =	sdelay $0x3  }
0xc0: {  	v51 =	vshll.u32 v49, $0x3  }
0xc1: {  	v52 =	vand.u32 $0xFFFFFC00, v51;
	v1 =	vand.u32 $0x7F, v49;
	[tilespmem:s19+$0x16200] =	vst v50  }
0xc2: {  	v1 =	vor.u32 v1, v52;
	v0 =	vld.idx.msk [tilespmem:v0+s13+$0x0], $0xffff  }
0xc3: {  	v1 =	vadd.s32 $0x4280, v1;
	_ =	sdelay $0x3  }
0xc4: {  	v53 =	vld [tilespmem:s19+$0x2300];
	[tilespmem:s19+$0x1A200] =	vst v0  }
0xc5: {  	v54 =	vld.idx.msk [tilespmem:v1+s12+$0x0], $0xffff;
	_ =	sdelay $0x3  }
0xc6: {  	v55 =	vshll.u32 v53, $0x3  }
0xc7: {  	v56 =	vand.u32 $0xFFFFFC00, v55;
	v0 =	vand.u32 $0x7F, v53;
	[tilespmem:s19+$0x16280] =	vst v54  }
0xc8: {  	v0 =	vor.u32 v0, v56;
	v1 =	vld.idx.msk [tilespmem:v1+s13+$0x0], $0xffff  }
0xc9: {  	v0 =	vadd.s32 $0x4300, v0;
	_ =	sdelay $0x3  }
0xca: {  	[tilespmem:s19+$0x1A280] =	vst v1  }
0xcb: {  	v1 =	vld.idx.msk [tilespmem:v0+s12+$0x0], $0xffff;
	_ =	sdelay $0x4  }
0xcc: {  	[tilespmem:s19+$0x16300] =	vst v1  }
0xcd: {  	v0 =	vld.idx.msk [tilespmem:v0+s13+$0x0], $0xffff;
	_ =	sdelay $0x4  }
0xce: {  	s31 =	sor.u32 $0x2380, s28;
	[tilespmem:s19+$0x1A300] =	vst v0  }
0xcf: {  	v0 =	vld [tilespmem:s31+$0x0];
	_ =	sdelay $0x4  }
0xd0: {  	v57 =	vshll.u32 v0, $0x3  }
0xd1: {  	v0 =	vand.u32 $0x7F, v0;
	v1 =	vand.u32 $0xFFFFFC00, v57  }
0xd2: {  	v0 =	vor.u32 v0, v1  }
0xd3: {  	v0 =	vadd.s32 $0x4380, v0;
	_ =	sdelay $0x4  }
0xd4: {  	v58 =	vld.idx.msk [tilespmem:v0+s12+$0x0], $0xffff;
	_ =	sdelay $0x4  }
0xd5: {  	[tilespmem:s31+$0x14000] =	vst v58  }
0xd6: {  	v0 =	vld.idx.msk [tilespmem:v0+s13+$0x0], $0xffff;
	_ =	sdelay $0x4  }
0xd7: {  	[tilespmem:s31+$0x18000] =	vst v0  }
0xd8: {  	v0 =	vld [tilespmem:s19+$0x3000];
	_ =	sdelay $0x4  }
0xd9: {  	v59 =	vshll.u32 v0, $0x3  }
0xda: {  	v0 =	vand.u32 $0x7F, v0;
	v1 =	vand.u32 $0xFFFFFC00, v59  }
0xdb: {  	v0 =	vor.u32 v0, v1  }
0xdc: {  	v0 =	vadd.s32 $0x6000, v0;
	_ =	sdelay $0x3  }
0xdd: {  	v60 =	vld [tilespmem:s19+$0x3080]  }
0xde: {  	v61 =	vld.idx.msk [tilespmem:v0+s12+$0x0], $0xffff;
	_ =	sdelay $0x3  }
0xdf: {  	v62 =	vshll.u32 v60, $0x3  }
0xe0: {  	v63 =	vand.u32 $0xFFFFFC00, v62;
	v1 =	vand.u32 $0x7F, v60;
	[tilespmem:s19+$0x17000] =	vst v61  }
0xe1: {  	v1 =	vor.u32 v1, v63;
	v0 =	vld.idx.msk [tilespmem:v0+s13+$0x0], $0xffff  }
0xe2: {  	v1 =	vadd.s32 $0x6080, v1;
	_ =	sdelay $0x3  }
0xe3: {  	[tilespmem:s19+$0x1B000] =	vst v0  }
0xe4: {  	v0 =	vld.idx.msk [tilespmem:v1+s12+$0x0], $0xffff;
	_ =	sdelay $0x4  }
0xe5: {  	[tilespmem:s19+$0x17080] =	vst v0  }
0xe6: {  	p0 =	sne.s32 s18, $0x1F0;
	v0 =	vld.idx.msk [tilespmem:v1+s13+$0x0], $0xffff  }
.Ltmp0:
0xe7: {  	_ = 	snop;
	(pc) =	sbr.rel @p0 .LBB2_2-.Ltmp0, $2  }
0xe8: {  	_ =	sdelay $0x2  }
0xe9: {  	s17 =	sadd.s32 $0x80, s17;
	s18 =	sadd.s32 $0x10, s18;
	[tilespmem:s19+$0x1B080] =	vst v0  }
0xea: {  	[hbm4b:s6+s9] =	stream.strided.scatter [tilespmem:s14], [sflag:$0x1], $0x4000, s10, s9, $0x38;
	[tilespmem:$0x1C000] =	vst v63  }
0xeb: {  	s16 =	sadd.s32 $0x1, s16;
	_ =	swait.ge [sflag:s11], $0x4000  }
0xec: {  	p0 =	sne.s32 s16, s8;
	[sflag:s11] =	ssyncset.done $0x0  }
.Ltmp1:
0xed: {  	[sflag:s11] =	ssyncadd.s32 $0xFFFFC000;
	(pc) =	sbr.rel @p0 .LBB2_1-.Ltmp1, $4  }
0xee: {  	[hbm4b:s7+s9] =	stream.strided.scatter [tilespmem:s15], [sflag:$0x1], $0x4000, s10, s9, $0x38;
	[tilespmem:$0x1C000] =	vst v63  }
0xef: {  	_ =	swait.ge [sflag:s11], $0x4000  }
0xf0: {  	[sflag:s11] =	ssyncset.done $0x0  }
0xf1: {  	[sflag:s11] =	ssyncadd.s32 $0xFFFFC000  }
0xf2: {  	_ =	sfence.sel $0x180000  }
0xf3: {  	[bflag:$0x0] =	sbarrier.arrive $0xFFFF  }
0xf4: {  	p0 =	sne.s32 s3, $0x0;
	_ =	strace $0x90000047  }
0xf5: {  	s0 =	sadd.s32 @!p0 $0x100000, s0;
	[bflag:$0x2] =	sbarrier.arrive $0xFFFF  }
0xf6: {  	[sflag:s0] =	ssyncadd.tile.s32 @!p0 $0x1;
	_ =	shalt  }
.Lfunc_end2:
_tile_overlayer_lowered:
.L_overlay_start_2:
0xf7: {  	(tag) =	ssettag $0x2  }
0xf8: {  	s0 =	rddreg [dreg:$0x0];
	s2 =	stileid.u32  }
0xf9: {  	s1 =	rddreg [dreg:$0x1];
	p0 =	sne.s32 s2, $0x0  }
0xfa: {  	s3 =	rddreg [dreg:$0x2];
	[bflag:$0x3] =	sbarrier.arrive $0xFFFF;
	s2 =	simm.s32 @!p0 $0x1C01  }
0xfb: {  	[timem:s3], [sflag:s2] =	dma.local @!p0 [hbm:s0], s1  }
0xfc: {  	s0 =	simm.s32 @!p0 $0x1  }
0xfd: {  	_ =	swait.ge @!p0 [sflag:s0], s1  }
0xfe: {  	s1 =	ssub.s32 @!p0 $0x0, s1;
	[sflag:s0] =	ssyncset.done @!p0 $0x0  }
0xff: {  	[sflag:s0] =	ssyncadd.s32 @!p0 s1  }
0x100: {  	[bflag:$0x3] =	sbarrier.arrive $0xFFFF  }
0x101: {  	_ =	shalt  }

</sc_bundles>
